<compile_context>
chip_gen: v7x
topology: tpu7x:2x2x1
jax: 0.10.2.dev20260603
libtpu: 0.0.44.dev20260713+nightly
codegen_flags: <defaults>
</compile_context>

<pallas_src>
import functools

import jax
import jax.numpy as jnp
from jax import lax
from jax.experimental import pallas as pl
from jax.experimental.pallas import tpu as pltpu
from jax.experimental.pallas import tpu_sc as plsc

_S = 64
_LANES = _S * _S
_NVOX = _S * _S * _S
_NC = 2
_NS = 16
_NW = _NC * _NS
_STRIPE = _NVOX // _NS


def _shift_rows(v, d, f):
    z = jnp.zeros((f, _LANES), v.dtype)
    if d > 0:
        return jnp.concatenate([v[f:, :], z], axis=0)
    return jnp.concatenate([z, v[:-f, :]], axis=0)


def _shift_y(v, d, f):
    w = f * _S
    z = jnp.zeros((_S, w), v.dtype)
    if d > 0:
        return jnp.concatenate([v[:, w:], z], axis=1)
    return jnp.concatenate([z, v[:, :-w]], axis=1)


def _shift_z(v, d, f, zi):
    z = jnp.zeros((_S, f), v.dtype)
    if d > 0:
        sh = jnp.concatenate([v[:, f:], z], axis=1)
        return jnp.where(zi < _S - f, sh, 0.0)
    sh = jnp.concatenate([z, v[:, :-f]], axis=1)
    return jnp.where(zi >= f, sh, 0.0)


def _pool2(m, f):
    t = m + _shift_rows(m, 1, f)
    t = t + _shift_y(t, 1, f)
    t = t + _shift_z_nowrap(t, f)
    return t


def _shift_z_nowrap(v, f):
    z = jnp.zeros((_S, f), v.dtype)
    return jnp.concatenate([v[:, f:], z], axis=1)


def _dense_body(vp_ref, cp_ref, o0, o1, o2, o3):
    sumv = vp_ref[0] + vp_ref[1]
    cnt = cp_ref[0] + cp_ref[1]
    xi = lax.broadcasted_iota(jnp.int32, (_S, _LANES), 0)
    li = lax.broadcasted_iota(jnp.int32, (_S, _LANES), 1)
    yi = li // _S
    zi = li % _S

    sa = jnp.where(cnt > 0, sumv / jnp.maximum(cnt, 1.0), 0.0)
    sc = (cnt > 0).astype(jnp.float32)

    for sidx, o_ref in enumerate((o0, o1, o2, o3)):
        f = 1 << sidx
        if f == 1:
            anchor = None
            actb = sc > 0
        else:
            anchor = ((xi % f) == 0) & ((yi % f) == 0) & ((zi % f) == 0)
            actb = anchor & (sc > 0)
        val = jnp.where(actb, sa / jnp.maximum(sc, 1e-12), 0.0)
        shs = (
            _shift_rows(val, -1, f),
            _shift_rows(val, 1, f),
            _shift_y(val, -1, f),
            _shift_y(val, 1, f),
            _shift_z(val, -1, f, zi),
            _shift_z(val, 1, f, zi),
        )
        acc = jnp.zeros((_S, _LANES), jnp.int32)
        for i, sh in enumerate(shs):
            sh_b = sh.astype(jnp.bfloat16).astype(jnp.float32)
            acc |= jnp.where(actb & (jnp.abs(sh_b - val) < 0.01), 1 << i, 0)
            acc |= jnp.where(actb & (sh_b > 0), 1 << (6 + i), 0)
        o_ref[...] = acc
        if sidx < 3:
            sa = _pool2(sa, f)
            sc = _pool2(sc, f)


_dense_call = pl.pallas_call(
    _dense_body,
    out_shape=tuple(
        jax.ShapeDtypeStruct((_S, _LANES), jnp.int32) for _ in range(4)
    ),
)


@functools.lru_cache(maxsize=None)
def _make_scatter(n_real: int):
    chunk = -(-n_real // _NW // 1024) * 1024
    n_pad = chunk * _NW
    n_rows = chunk // 128
    mesh = plsc.VectorSubcoreMesh(core_axis_name="c", subcore_axis_name="s")

    @functools.partial(
        pl.kernel,
        out_type=(
            jax.ShapeDtypeStruct((_NC * _NVOX,), jnp.float32),
            jax.ShapeDtypeStruct((_NC * _NVOX,), jnp.float32),
        ),
        mesh=mesh,
        scratch_types=[
            pltpu.VMEM((n_rows, 128), jnp.int32),
            pltpu.VMEM((n_rows, 128), jnp.float32),
            pltpu.VMEM((n_rows, 128), jnp.float32),
            pltpu.VMEM_SHARED((_NVOX,), jnp.float32),
            pltpu.VMEM_SHARED((_NVOX,), jnp.float32),
            pltpu.SemaphoreType.DMA,
        ],
    )
    def scatter(lin_hbm, val_hbm, one_hbm, zero_hbm, vout, cout,
                idx_v, val_v, one_v, gv, gc, sem):
        c = lax.axis_index("c")
        s = lax.axis_index("s")
        wid = s * _NC + c
        row0 = wid * n_rows
        pltpu.sync_copy(lin_hbm.at[pl.ds(row0, n_rows)], idx_v)
        pltpu.sync_copy(val_hbm.at[pl.ds(row0, n_rows)], val_v)
        pltpu.sync_copy(one_hbm.at[pl.ds(row0, n_rows)], one_v)
        pltpu.sync_copy(zero_hbm, gv.at[pl.ds(s * _STRIPE, _STRIPE)])
        pltpu.sync_copy(zero_hbm, gc.at[pl.ds(s * _STRIPE, _STRIPE)])
        plsc.subcore_barrier()

        def sbody(g, _):
            cps = []
            for k in range(8):
                j = g * 8 + k
                cps.append(pltpu.async_copy(
                    val_v.at[j], gv.at[idx_v.at[j]], sem, add=True))
                cps.append(pltpu.async_copy(
                    one_v.at[j], gc.at[idx_v.at[j]], sem, add=True))
            for cp_ in cps:
                cp_.wait()
            return 0

        lax.fori_loop(0, n_rows // 8, sbody, 0)
        plsc.subcore_barrier()

        pltpu.sync_copy(gv.at[pl.ds(s * _STRIPE, _STRIPE)],
                        vout.at[pl.ds(c * _NVOX + s * _STRIPE, _STRIPE)])
        pltpu.sync_copy(gc.at[pl.ds(s * _STRIPE, _STRIPE)],
                        cout.at[pl.ds(c * _NVOX + s * _STRIPE, _STRIPE)])

    return scatter, n_pad


def _scatter_sc(coords, instance_gt):
    n_real = coords.shape[0]
    scatter, n_pad = _make_scatter(n_real)
    lin = (coords[:, 0] * _S + coords[:, 1]) * _S + coords[:, 2]
    valf = instance_gt.astype(jnp.float32) + 1.0
    pad_idx = jnp.arange(n_pad - n_real, dtype=jnp.int32) % _NVOX
    lin_p = jnp.concatenate([lin, pad_idx]).reshape(-1, 128)
    val_p = jnp.pad(valf, (0, n_pad - n_real)).reshape(-1, 128)
    one_p = (jnp.arange(n_pad) < n_real).astype(jnp.float32).reshape(-1, 128)
    zero = jnp.zeros((_STRIPE,), jnp.float32)
    vflat, cflat = scatter(lin_p, val_p, one_p, zero)
    return (vflat.reshape(_NC, _S, _LANES), cflat.reshape(_NC, _S, _LANES))


def kernel(coords, instance_gt, W):
    del W
    coords = coords.astype(jnp.int32)
    vp, cp = _scatter_sc(coords, instance_gt)
    pks = _dense_call(vp, cp)
    bits = jnp.arange(12, dtype=jnp.int32)
    outs = []
    for sidx, pk in enumerate(pks):
        f = 1 << sidx
        g = pk.reshape(_S, _S, _S)[::f, ::f, ::f]
        outs.append(((g[..., None] >> bits) & 1).astype(jnp.float32))
    return tuple(outs)

# --- scband reference (transcript-rebuilt; emitter-appended) ---
"""Pipeline reference for scband-neighbor-gt-76227079570080 (READ-ONLY COPY).

The authoritative reference and input builder live on the scoring server;
editing this copy changes nothing except your own understanding.
"""

import jax, jax.numpy as jnp
import numpy as np

S = 64
N = 100000
NUM_SCALES = 4
NUM_NEIGHBORS = 6
OFFSETS = [4, 22, 10, 16, 12, 14]  # -x,+x,-y,+y,-z,+z kernel positions in 3x3x3


def setup_inputs(seed: int = 0) -> dict:
    key = jax.random.key(seed)
    k1, k2 = jax.random.split(key)
    coords = jax.random.randint(k1, (N, 3), 0, S, dtype=jnp.int32)
    instance_gt = jax.random.randint(k2, (N,), 0, 50, dtype=jnp.int32)
    # fixed one-hot neighbor-shift conv weight, exactly as in __init__
    W = np.zeros((27, 1, NUM_NEIGHBORS), dtype=np.float32)
    for i, off in enumerate(OFFSETS):
        W[off, 0, i] = 1.0
    return {"coords": coords, "instance_gt": instance_gt, "W": jnp.asarray(W)}


def _shift(a, dx, dy, dz):
    # value of a at p+(dx,dy,dz), zero outside grid (submanifold: inactive sites are 0)
    p = jnp.pad(a, ((1, 1), (1, 1), (1, 1), (0, 0)))
    s = a.shape[0]
    return p[1 + dx:1 + dx + s, 1 + dy:1 + dy + s, 1 + dz:1 + dz + s, :]


def reference(coords, instance_gt, W):
    coords = coords.astype(jnp.int32)
    lin = (coords[:, 0] * S + coords[:, 1]) * S + coords[:, 2]
    # InputLayer mode=4: average features of duplicate coordinates
    feats = jnp.stack([instance_gt.astype(jnp.float32) + 1.0,
                       jnp.ones((coords.shape[0],), jnp.float32)], axis=-1)
    sum_grid = jnp.zeros((S * S * S, 2), jnp.float32).at[lin].add(feats)
    cnt = jnp.zeros((S * S * S,), jnp.float32).at[lin].add(1.0)
    grid = jnp.where(cnt[:, None] > 0, sum_grid / jnp.maximum(cnt[:, None], 1.0), 0.0)
    grid = grid.reshape(S, S, S, 2)
    active0 = (cnt > 0).reshape(S, S, S).astype(jnp.float32)

    outs = []
    for sidx in range(NUM_SCALES):
        f = 2 ** sidx
        sc = S // f
        if f == 1:
            g = grid
            act = active0
        else:
            # scn.AveragePooling divides by full pool volume; inactive sites are zero
            g = grid.reshape(sc, f, sc, f, sc, f, 2).sum(axis=(1, 3, 5)) / float(f ** 3)
            act = (active0.reshape(sc, f, sc, f, sc, f).max(axis=(1, 3, 5)) > 0).astype(jnp.float32)
        count = g[..., 1:2]
        val = jnp.where(act[..., None] > 0, g[..., 0:1] / jnp.maximum(count, 1e-12), 0.0)
        # SubmanifoldConvolution(3, 1, 6, 3, bias=False) with one-hot neighbor weights
        shifted = []
        for off in range(27):
            dx = off // 9 - 1
            dy = (off // 3) % 3 - 1
            dz = off % 3 - 1
            shifted.append(_shift(val, dx, dy, dz))
        stk = jnp.stack(shifted, axis=0)  # [27, sc, sc, sc, 1]
        conv = jnp.einsum('oxyzc,ocn->xyzn', stk, W) * act[..., None]  # [sc,sc,sc,6]
        features = (jnp.abs(conv - val) < 0.01).astype(jnp.float32)
        masks = (conv > 0).astype(jnp.float32)
        out = jnp.concatenate([jax.lax.stop_gradient(features),
                               jax.lax.stop_gradient(masks)], axis=-1) * act[..., None]
        outs.append(out)
    return tuple(outs)

if __name__ == "__main__":
    import jax
    _d = setup_inputs()
    print(jax.jit(kernel)(*tuple(_d.values())))

</pallas_src>

<mosaic_0001>
#map = affine_map<(d0, d1) -> (0, 0)>
#map1 = affine_map<(d0, d1) -> (0)>
module attributes {stable_mosaic.version = 14 : i64} {
  func.func @scatter(%arg0: i32, %arg1: i32, %arg2: memref<1024x128xi32, #tpu.memory_space<hbm>>, %arg3: memref<1024x128xf32, #tpu.memory_space<hbm>>, %arg4: memref<1024x128xf32, #tpu.memory_space<hbm>>, %arg5: memref<16384xf32, #tpu.memory_space<hbm>>, %arg6: memref<524288xf32, #tpu.memory_space<hbm>>, %arg7: memref<524288xf32, #tpu.memory_space<hbm>>, %arg8: memref<32x128xi32, #tpu.memory_space<vmem>>, %arg9: memref<32x128xf32, #tpu.memory_space<vmem>>, %arg10: memref<32x128xf32, #tpu.memory_space<vmem>>, %arg11: memref<262144xf32, #tpu.memory_space<vmem_shared>>, %arg12: memref<262144xf32, #tpu.memory_space<vmem_shared>>, %arg13: memref<!tpu.dma_semaphore, #tpu.memory_space<semaphore_mem>>) attributes {dimension_semantics = [#tpu.dimension_semantics<core_parallel>, #tpu.dimension_semantics<subcore_parallel>], iteration_bounds = array<i64: 2, 16>, scalar_prefetch = 0 : i64, scratch_operands = 6 : i64, tpu.core_type = #tpu.core_type<sc_vector_subcore>, window_params = [{transform_indices = #map}, {transform_indices = #map}, {transform_indices = #map}, {transform_indices = #map1}, {transform_indices = #map1}, {transform_indices = #map1}]} {
    %mul3A = arith.constant 2 : i32
    %mul3A_0 = arith.muli %arg1, %mul3A : i32
    %add3A = arith.addi %mul3A_0, %arg0 : i32
    %mul3A_1 = arith.constant 32 : i32
    %mul3A_2 = arith.muli %add3A, %mul3A_1 : i32
    "tpu.region"() ({
      %run_scoped3A = tpu.sem_alloc : memref<!tpu.dma_semaphore, #tpu.memory_space<semaphore_mem>>
      %dma_start3A = arith.constant 0 : i32
      %dma_start3A_28 = tpu.memref_slice %arg2[%mul3A_2, %dma_start3A] : memref<1024x128xi32, #tpu.memory_space<hbm>> -> memref<32x128xi32, #tpu.memory_space<hbm>>
      %dma_start3A_29 = arith.constant 0 : i32
      %dma_start3A_30 = tpu.memref_slice %arg2[%mul3A_2, %dma_start3A_29] : memref<1024x128xi32, #tpu.memory_space<hbm>> -> memref<32x128xi32, #tpu.memory_space<hbm>>
      tpu.enqueue_dma source(%dma_start3A_30 : memref<32x128xi32, #tpu.memory_space<hbm>>) target(%arg8 : memref<32x128xi32, #tpu.memory_space<vmem>>) target_semaphore(%run_scoped3A : memref<!tpu.dma_semaphore, #tpu.memory_space<semaphore_mem>>)
      %dma_wait3A = arith.constant 0 : i32
      %dma_wait3A_31 = tpu.memref_slice %arg2[%mul3A_2, %dma_wait3A] : memref<1024x128xi32, #tpu.memory_space<hbm>> -> memref<32x128xi32, #tpu.memory_space<hbm>>
      %dma_wait3A_32 = arith.constant 0 : i32
      %dma_wait3A_33 = tpu.memref_slice %arg2[%mul3A_2, %dma_wait3A_32] : memref<1024x128xi32, #tpu.memory_space<hbm>> -> memref<32x128xi32, #tpu.memory_space<hbm>>
      tpu.wait_dma2 semaphore(%run_scoped3A : memref<!tpu.dma_semaphore, #tpu.memory_space<semaphore_mem>>) src(%dma_wait3A_33 : memref<32x128xi32, #tpu.memory_space<hbm>>) dst(%arg8 : memref<32x128xi32, #tpu.memory_space<vmem>>)
      tpu.yield
    }) : () -> ()
    "tpu.region"() ({
      %run_scoped3A = tpu.sem_alloc : memref<!tpu.dma_semaphore, #tpu.memory_space<semaphore_mem>>
      %dma_start3A = arith.constant 0 : i32
      %dma_start3A_28 = tpu.memref_slice %arg3[%mul3A_2, %dma_start3A] : memref<1024x128xf32, #tpu.memory_space<hbm>> -> memref<32x128xf32, #tpu.memory_space<hbm>>
      %dma_start3A_29 = arith.constant 0 : i32
      %dma_start3A_30 = tpu.memref_slice %arg3[%mul3A_2, %dma_start3A_29] : memref<1024x128xf32, #tpu.memory_space<hbm>> -> memref<32x128xf32, #tpu.memory_space<hbm>>
      tpu.enqueue_dma source(%dma_start3A_30 : memref<32x128xf32, #tpu.memory_space<hbm>>) target(%arg9 : memref<32x128xf32, #tpu.memory_space<vmem>>) target_semaphore(%run_scoped3A : memref<!tpu.dma_semaphore, #tpu.memory_space<semaphore_mem>>)
      %dma_wait3A = arith.constant 0 : i32
      %dma_wait3A_31 = tpu.memref_slice %arg3[%mul3A_2, %dma_wait3A] : memref<1024x128xf32, #tpu.memory_space<hbm>> -> memref<32x128xf32, #tpu.memory_space<hbm>>
      %dma_wait3A_32 = arith.constant 0 : i32
      %dma_wait3A_33 = tpu.memref_slice %arg3[%mul3A_2, %dma_wait3A_32] : memref<1024x128xf32, #tpu.memory_space<hbm>> -> memref<32x128xf32, #tpu.memory_space<hbm>>
      tpu.wait_dma2 semaphore(%run_scoped3A : memref<!tpu.dma_semaphore, #tpu.memory_space<semaphore_mem>>) src(%dma_wait3A_33 : memref<32x128xf32, #tpu.memory_space<hbm>>) dst(%arg9 : memref<32x128xf32, #tpu.memory_space<vmem>>)
      tpu.yield
    }) : () -> ()
    "tpu.region"() ({
      %run_scoped3A = tpu.sem_alloc : memref<!tpu.dma_semaphore, #tpu.memory_space<semaphore_mem>>
      %dma_start3A = arith.constant 0 : i32
      %dma_start3A_28 = tpu.memref_slice %arg4[%mul3A_2, %dma_start3A] : memref<1024x128xf32, #tpu.memory_space<hbm>> -> memref<32x128xf32, #tpu.memory_space<hbm>>
      %dma_start3A_29 = arith.constant 0 : i32
      %dma_start3A_30 = tpu.memref_slice %arg4[%mul3A_2, %dma_start3A_29] : memref<1024x128xf32, #tpu.memory_space<hbm>> -> memref<32x128xf32, #tpu.memory_space<hbm>>
      tpu.enqueue_dma source(%dma_start3A_30 : memref<32x128xf32, #tpu.memory_space<hbm>>) target(%arg10 : memref<32x128xf32, #tpu.memory_space<vmem>>) target_semaphore(%run_scoped3A : memref<!tpu.dma_semaphore, #tpu.memory_space<semaphore_mem>>)
      %dma_wait3A = arith.constant 0 : i32
      %dma_wait3A_31 = tpu.memref_slice %arg4[%mul3A_2, %dma_wait3A] : memref<1024x128xf32, #tpu.memory_space<hbm>> -> memref<32x128xf32, #tpu.memory_space<hbm>>
      %dma_wait3A_32 = arith.constant 0 : i32
      %dma_wait3A_33 = tpu.memref_slice %arg4[%mul3A_2, %dma_wait3A_32] : memref<1024x128xf32, #tpu.memory_space<hbm>> -> memref<32x128xf32, #tpu.memory_space<hbm>>
      tpu.wait_dma2 semaphore(%run_scoped3A : memref<!tpu.dma_semaphore, #tpu.memory_space<semaphore_mem>>) src(%dma_wait3A_33 : memref<32x128xf32, #tpu.memory_space<hbm>>) dst(%arg10 : memref<32x128xf32, #tpu.memory_space<vmem>>)
      tpu.yield
    }) : () -> ()
    %mul3A_3 = arith.constant 16384 : i32
    %mul3A_4 = arith.muli %arg1, %mul3A_3 : i32
    "tpu.region"() ({
      %run_scoped3A = tpu.sem_alloc : memref<!tpu.dma_semaphore, #tpu.memory_space<semaphore_mem>>
      %dma_start3A = tpu.memref_slice %arg11[%mul3A_4] : memref<262144xf32, #tpu.memory_space<vmem_shared>> -> memref<16384xf32, #tpu.memory_space<vmem_shared>>
      tpu.enqueue_dma source(%arg5 : memref<16384xf32, #tpu.memory_space<hbm>>) target(%dma_start3A : memref<16384xf32, #tpu.memory_space<vmem_shared>>) target_semaphore(%run_scoped3A : memref<!tpu.dma_semaphore, #tpu.memory_space<semaphore_mem>>)
      %dma_wait3A = tpu.memref_slice %arg11[%mul3A_4] : memref<262144xf32, #tpu.memory_space<vmem_shared>> -> memref<16384xf32, #tpu.memory_space<vmem_shared>>
      tpu.wait_dma2 semaphore(%run_scoped3A : memref<!tpu.dma_semaphore, #tpu.memory_space<semaphore_mem>>) src(%arg5 : memref<16384xf32, #tpu.memory_space<hbm>>) dst(%dma_wait3A : memref<16384xf32, #tpu.memory_space<vmem_shared>>)
      tpu.yield
    }) : () -> ()
    %mul3A_5 = arith.constant 16384 : i32
    %mul3A_6 = arith.muli %arg1, %mul3A_5 : i32
    "tpu.region"() ({
      %run_scoped3A = tpu.sem_alloc : memref<!tpu.dma_semaphore, #tpu.memory_space<semaphore_mem>>
      %dma_start3A = tpu.memref_slice %arg12[%mul3A_6] : memref<262144xf32, #tpu.memory_space<vmem_shared>> -> memref<16384xf32, #tpu.memory_space<vmem_shared>>
      tpu.enqueue_dma source(%arg5 : memref<16384xf32, #tpu.memory_space<hbm>>) target(%dma_start3A : memref<16384xf32, #tpu.memory_space<vmem_shared>>) target_semaphore(%run_scoped3A : memref<!tpu.dma_semaphore, #tpu.memory_space<semaphore_mem>>)
      %dma_wait3A = tpu.memref_slice %arg12[%mul3A_6] : memref<262144xf32, #tpu.memory_space<vmem_shared>> -> memref<16384xf32, #tpu.memory_space<vmem_shared>>
      tpu.wait_dma2 semaphore(%run_scoped3A : memref<!tpu.dma_semaphore, #tpu.memory_space<semaphore_mem>>) src(%arg5 : memref<16384xf32, #tpu.memory_space<hbm>>) dst(%dma_wait3A : memref<16384xf32, #tpu.memory_space<vmem_shared>>)
      tpu.yield
    }) : () -> ()
    %barrier3A = arith.constant 0 : index
    tpu.barrier barrier_id(%barrier3A)
    %scan3A = arith.constant 0 : i32
    %scan3A_7 = arith.constant 0 : i32
    %scan3A_8 = arith.constant 4 : i32
    %scan3A_9 = arith.addi %scan3A_7, %scan3A_8 : i32
    %scan3A_10 = arith.constant 1 : i32
    %scan3A_11 = scf.for %scan3A_28 = %scan3A_7 to %scan3A_9 step %scan3A_10 iter_args(%scan3A_29 = %scan3A) -> (i32)  : i32 {
      %mul3A_30 = arith.constant 8 : i32
      %mul3A_31 = arith.muli %scan3A_28, %mul3A_30 : i32
      %add3A_32 = arith.constant 0 : i32
      %add3A_33 = arith.addi %mul3A_31, %add3A_32 : i32
      %dma_start3A = arith.constant 0 : i32
      %dma_start3A_34 = tpu.memref_slice %arg9[%add3A_33, %dma_start3A] : memref<32x128xf32, #tpu.memory_space<vmem>> -> memref<1x128xf32, #tpu.memory_space<vmem>>
      %dma_start3A_35 = tpu.memref_squeeze %dma_start3A_34 : memref<1x128xf32, #tpu.memory_space<vmem>> -> memref<128xf32, #tpu.memory_space<vmem>>
      %dma_start3A_36 = arith.constant 0 : i32
      %dma_start3A_37 = tpu.memref_slice %arg8[%add3A_33, %dma_start3A_36] : memref<32x128xi32, #tpu.memory_space<vmem>> -> memref<1x128xi32, #tpu.memory_space<vmem>>
      %dma_start3A_38 = tpu.memref_squeeze %dma_start3A_37 : memref<1x128xi32, #tpu.memory_space<vmem>> -> memref<128xi32, #tpu.memory_space<vmem>>
      %dma_start3A_39 = arith.constant 0 : i32
      %dma_start3A_40 = tpu.memref_slice %arg11[%dma_start3A_39] : memref<262144xf32, #tpu.memory_space<vmem_shared>> -> memref<262144xf32, #tpu.memory_space<vmem_shared>>
      tpu.enqueue_indirect_dma source(%dma_start3A_35 : memref<128xf32, #tpu.memory_space<vmem>>) target(%dma_start3A_40 : memref<262144xf32, #tpu.memory_space<vmem_shared>>) offsets(%dma_start3A_38 : memref<128xi32, #tpu.memory_space<vmem>>) semaphore(%arg13 : memref<!tpu.dma_semaphore, #tpu.memory_space<semaphore_mem>>) {add = true}
      %dma_start3A_41 = arith.constant 0 : i32
      %dma_start3A_42 = tpu.memref_slice %arg10[%add3A_33, %dma_start3A_41] : memref<32x128xf32, #tpu.memory_space<vmem>> -> memref<1x128xf32, #tpu.memory_space<vmem>>
      %dma_start3A_43 = tpu.memref_squeeze %dma_start3A_42 : memref<1x128xf32, #tpu.memory_space<vmem>> -> memref<128xf32, #tpu.memory_space<vmem>>
      %dma_start3A_44 = arith.constant 0 : i32
      %dma_start3A_45 = tpu.memref_slice %arg8[%add3A_33, %dma_start3A_44] : memref<32x128xi32, #tpu.memory_space<vmem>> -> memref<1x128xi32, #tpu.memory_space<vmem>>
      %dma_start3A_46 = tpu.memref_squeeze %dma_start3A_45 : memref<1x128xi32, #tpu.memory_space<vmem>> -> memref<128xi32, #tpu.memory_space<vmem>>
      %dma_start3A_47 = arith.constant 0 : i32
      %dma_start3A_48 = tpu.memref_slice %arg12[%dma_start3A_47] : memref<262144xf32, #tpu.memory_space<vmem_shared>> -> memref<262144xf32, #tpu.memory_space<vmem_shared>>
      tpu.enqueue_indirect_dma source(%dma_start3A_43 : memref<128xf32, #tpu.memory_space<vmem>>) target(%dma_start3A_48 : memref<262144xf32, #tpu.memory_space<vmem_shared>>) offsets(%dma_start3A_46 : memref<128xi32, #tpu.memory_space<vmem>>) semaphore(%arg13 : memref<!tpu.dma_semaphore, #tpu.memory_space<semaphore_mem>>) {add = true}
      %mul3A_49 = arith.constant 8 : i32
      %mul3A_50 = arith.muli %scan3A_28, %mul3A_49 : i32
      %add3A_51 = arith.constant 1 : i32
      %add3A_52 = arith.addi %mul3A_50, %add3A_51 : i32
      %dma_start3A_53 = arith.constant 0 : i32
      %dma_start3A_54 = tpu.memref_slice %arg9[%add3A_52, %dma_start3A_53] : memref<32x128xf32, #tpu.memory_space<vmem>> -> memref<1x128xf32, #tpu.memory_space<vmem>>
      %dma_start3A_55 = tpu.memref_squeeze %dma_start3A_54 : memref<1x128xf32, #tpu.memory_space<vmem>> -> memref<128xf32, #tpu.memory_space<vmem>>
      %dma_start3A_56 = arith.constant 0 : i32
      %dma_start3A_57 = tpu.memref_slice %arg8[%add3A_52, %dma_start3A_56] : memref<32x128xi32, #tpu.memory_space<vmem>> -> memref<1x128xi32, #tpu.memory_space<vmem>>
      %dma_start3A_58 = tpu.memref_squeeze %dma_start3A_57 : memref<1x128xi32, #tpu.memory_space<vmem>> -> memref<128xi32, #tpu.memory_space<vmem>>
      %dma_start3A_59 = arith.constant 0 : i32
      %dma_start3A_60 = tpu.memref_slice %arg11[%dma_start3A_59] : memref<262144xf32, #tpu.memory_space<vmem_shared>> -> memref<262144xf32, #tpu.memory_space<vmem_shared>>
      tpu.enqueue_indirect_dma source(%dma_start3A_55 : memref<128xf32, #tpu.memory_space<vmem>>) target(%dma_start3A_60 : memref<262144xf32, #tpu.memory_space<vmem_shared>>) offsets(%dma_start3A_58 : memref<128xi32, #tpu.memory_space<vmem>>) semaphore(%arg13 : memref<!tpu.dma_semaphore, #tpu.memory_space<semaphore_mem>>) {add = true}
      %dma_start3A_61 = arith.constant 0 : i32
      %dma_start3A_62 = tpu.memref_slice %arg10[%add3A_52, %dma_start3A_61] : memref<32x128xf32, #tpu.memory_space<vmem>> -> memref<1x128xf32, #tpu.memory_space<vmem>>
      %dma_start3A_63 = tpu.memref_squeeze %dma_start3A_62 : memref<1x128xf32, #tpu.memory_space<vmem>> -> memref<128xf32, #tpu.memory_space<vmem>>
      %dma_start3A_64 = arith.constant 0 : i32
      %dma_start3A_65 = tpu.memref_slice %arg8[%add3A_52, %dma_start3A_64] : memref<32x128xi32, #tpu.memory_space<vmem>> -> memref<1x128xi32, #tpu.memory_space<vmem>>
      %dma_start3A_66 = tpu.memref_squeeze %dma_start3A_65 : memref<1x128xi32, #tpu.memory_space<vmem>> -> memref<128xi32, #tpu.memory_space<vmem>>
      %dma_start3A_67 = arith.constant 0 : i32
      %dma_start3A_68 = tpu.memref_slice %arg12[%dma_start3A_67] : memref<262144xf32, #tpu.memory_space<vmem_shared>> -> memref<262144xf32, #tpu.memory_space<vmem_shared>>
      tpu.enqueue_indirect_dma source(%dma_start3A_63 : memref<128xf32, #tpu.memory_space<vmem>>) target(%dma_start3A_68 : memref<262144xf32, #tpu.memory_space<vmem_shared>>) offsets(%dma_start3A_66 : memref<128xi32, #tpu.memory_space<vmem>>) semaphore(%arg13 : memref<!tpu.dma_semaphore, #tpu.memory_space<semaphore_mem>>) {add = true}
      %mul3A_69 = arith.constant 8 : i32
      %mul3A_70 = arith.muli %scan3A_28, %mul3A_69 : i32
      %add3A_71 = arith.constant 2 : i32
      %add3A_72 = arith.addi %mul3A_70, %add3A_71 : i32
      %dma_start3A_73 = arith.constant 0 : i32
      %dma_start3A_74 = tpu.memref_slice %arg9[%add3A_72, %dma_start3A_73] : memref<32x128xf32, #tpu.memory_space<vmem>> -> memref<1x128xf32, #tpu.memory_space<vmem>>
      %dma_start3A_75 = tpu.memref_squeeze %dma_start3A_74 : memref<1x128xf32, #tpu.memory_space<vmem>> -> memref<128xf32, #tpu.memory_space<vmem>>
      %dma_start3A_76 = arith.constant 0 : i32
      %dma_start3A_77 = tpu.memref_slice %arg8[%add3A_72, %dma_start3A_76] : memref<32x128xi32, #tpu.memory_space<vmem>> -> memref<1x128xi32, #tpu.memory_space<vmem>>
      %dma_start3A_78 = tpu.memref_squeeze %dma_start3A_77 : memref<1x128xi32, #tpu.memory_space<vmem>> -> memref<128xi32, #tpu.memory_space<vmem>>
      %dma_start3A_79 = arith.constant 0 : i32
      %dma_start3A_80 = tpu.memref_slice %arg11[%dma_start3A_79] : memref<262144xf32, #tpu.memory_space<vmem_shared>> -> memref<262144xf32, #tpu.memory_space<vmem_shared>>
      tpu.enqueue_indirect_dma source(%dma_start3A_75 : memref<128xf32, #tpu.memory_space<vmem>>) target(%dma_start3A_80 : memref<262144xf32, #tpu.memory_space<vmem_shared>>) offsets(%dma_start3A_78 : memref<128xi32, #tpu.memory_space<vmem>>) semaphore(%arg13 : memref<!tpu.dma_semaphore, #tpu.memory_space<semaphore_mem>>) {add = true}
      %dma_start3A_81 = arith.constant 0 : i32
      %dma_start3A_82 = tpu.memref_slice %arg10[%add3A_72, %dma_start3A_81] : memref<32x128xf32, #tpu.memory_space<vmem>> -> memref<1x128xf32, #tpu.memory_space<vmem>>
      %dma_start3A_83 = tpu.memref_squeeze %dma_start3A_82 : memref<1x128xf32, #tpu.memory_space<vmem>> -> memref<128xf32, #tpu.memory_space<vmem>>
      %dma_start3A_84 = arith.constant 0 : i32
      %dma_start3A_85 = tpu.memref_slice %arg8[%add3A_72, %dma_start3A_84] : memref<32x128xi32, #tpu.memory_space<vmem>> -> memref<1x128xi32, #tpu.memory_space<vmem>>
      %dma_start3A_86 = tpu.memref_squeeze %dma_start3A_85 : memref<1x128xi32, #tpu.memory_space<vmem>> -> memref<128xi32, #tpu.memory_space<vmem>>
      %dma_start3A_87 = arith.constant 0 : i32
      %dma_start3A_88 = tpu.memref_slice %arg12[%dma_start3A_87] : memref<262144xf32, #tpu.memory_space<vmem_shared>> -> memref<262144xf32, #tpu.memory_space<vmem_shared>>
      tpu.enqueue_indirect_dma source(%dma_start3A_83 : memref<128xf32, #tpu.memory_space<vmem>>) target(%dma_start3A_88 : memref<262144xf32, #tpu.memory_space<vmem_shared>>) offsets(%dma_start3A_86 : memref<128xi32, #tpu.memory_space<vmem>>) semaphore(%arg13 : memref<!tpu.dma_semaphore, #tpu.memory_space<semaphore_mem>>) {add = true}
      %mul3A_89 = arith.constant 8 : i32
      %mul3A_90 = arith.muli %scan3A_28, %mul3A_89 : i32
      %add3A_91 = arith.constant 3 : i32
      %add3A_92 = arith.addi %mul3A_90, %add3A_91 : i32
      %dma_start3A_93 = arith.constant 0 : i32
      %dma_start3A_94 = tpu.memref_slice %arg9[%add3A_92, %dma_start3A_93] : memref<32x128xf32, #tpu.memory_space<vmem>> -> memref<1x128xf32, #tpu.memory_space<vmem>>
      %dma_start3A_95 = tpu.memref_squeeze %dma_start3A_94 : memref<1x128xf32, #tpu.memory_space<vmem>> -> memref<128xf32, #tpu.memory_space<vmem>>
      %dma_start3A_96 = arith.constant 0 : i32
      %dma_start3A_97 = tpu.memref_slice %arg8[%add3A_92, %dma_start3A_96] : memref<32x128xi32, #tpu.memory_space<vmem>> -> memref<1x128xi32, #tpu.memory_space<vmem>>
      %dma_start3A_98 = tpu.memref_squeeze %dma_start3A_97 : memref<1x128xi32, #tpu.memory_space<vmem>> -> memref<128xi32, #tpu.memory_space<vmem>>
      %dma_start3A_99 = arith.constant 0 : i32
      %dma_start3A_100 = tpu.memref_slice %arg11[%dma_start3A_99] : memref<262144xf32, #tpu.memory_space<vmem_shared>> -> memref<262144xf32, #tpu.memory_space<vmem_shared>>
      tpu.enqueue_indirect_dma source(%dma_start3A_95 : memref<128xf32, #tpu.memory_space<vmem>>) target(%dma_start3A_100 : memref<262144xf32, #tpu.memory_space<vmem_shared>>) offsets(%dma_start3A_98 : memref<128xi32, #tpu.memory_space<vmem>>) semaphore(%arg13 : memref<!tpu.dma_semaphore, #tpu.memory_space<semaphore_mem>>) {add = true}
      %dma_start3A_101 = arith.constant 0 : i32
      %dma_start3A_102 = tpu.memref_slice %arg10[%add3A_92, %dma_start3A_101] : memref<32x128xf32, #tpu.memory_space<vmem>> -> memref<1x128xf32, #tpu.memory_space<vmem>>
      %dma_start3A_103 = tpu.memref_squeeze %dma_start3A_102 : memref<1x128xf32, #tpu.memory_space<vmem>> -> memref<128xf32, #tpu.memory_space<vmem>>
      %dma_start3A_104 = arith.constant 0 : i32
      %dma_start3A_105 = tpu.memref_slice %arg8[%add3A_92, %dma_start3A_104] : memref<32x128xi32, #tpu.memory_space<vmem>> -> memref<1x128xi32, #tpu.memory_space<vmem>>
      %dma_start3A_106 = tpu.memref_squeeze %dma_start3A_105 : memref<1x128xi32, #tpu.memory_space<vmem>> -> memref<128xi32, #tpu.memory_space<vmem>>
      %dma_start3A_107 = arith.constant 0 : i32
      %dma_start3A_108 = tpu.memref_slice %arg12[%dma_start3A_107] : memref<262144xf32, #tpu.memory_space<vmem_shared>> -> memref<262144xf32, #tpu.memory_space<vmem_shared>>
      tpu.enqueue_indirect_dma source(%dma_start3A_103 : memref<128xf32, #tpu.memory_space<vmem>>) target(%dma_start3A_108 : memref<262144xf32, #tpu.memory_space<vmem_shared>>) offsets(%dma_start3A_106 : memref<128xi32, #tpu.memory_space<vmem>>) semaphore(%arg13 : memref<!tpu.dma_semaphore, #tpu.memory_space<semaphore_mem>>) {add = true}
      %mul3A_109 = arith.constant 8 : i32
      %mul3A_110 = arith.muli %scan3A_28, %mul3A_109 : i32
      %add3A_111 = arith.constant 4 : i32
      %add3A_112 = arith.addi %mul3A_110, %add3A_111 : i32
      %dma_start3A_113 = arith.constant 0 : i32
      %dma_start3A_114 = tpu.memref_slice %arg9[%add3A_112, %dma_start3A_113] : memref<32x128xf32, #tpu.memory_space<vmem>> -> memref<1x128xf32, #tpu.memory_space<vmem>>
      %dma_start3A_115 = tpu.memref_squeeze %dma_start3A_114 : memref<1x128xf32, #tpu.memory_space<vmem>> -> memref<128xf32, #tpu.memory_space<vmem>>
      %dma_start3A_116 = arith.constant 0 : i32
      %dma_start3A_117 = tpu.memref_slice %arg8[%add3A_112, %dma_start3A_116] : memref<32x128xi32, #tpu.memory_space<vmem>> -> memref<1x128xi32, #tpu.memory_space<vmem>>
      %dma_start3A_118 = tpu.memref_squeeze %dma_start3A_117 : memref<1x128xi32, #tpu.memory_space<vmem>> -> memref<128xi32, #tpu.memory_space<vmem>>
      %dma_start3A_119 = arith.constant 0 : i32
      %dma_start3A_120 = tpu.memref_slice %arg11[%dma_start3A_119] : memref<262144xf32, #tpu.memory_space<vmem_shared>> -> memref<262144xf32, #tpu.memory_space<vmem_shared>>
      tpu.enqueue_indirect_dma source(%dma_start3A_115 : memref<128xf32, #tpu.memory_space<vmem>>) target(%dma_start3A_120 : memref<262144xf32, #tpu.memory_space<vmem_shared>>) offsets(%dma_start3A_118 : memref<128xi32, #tpu.memory_space<vmem>>) semaphore(%arg13 : memref<!tpu.dma_semaphore, #tpu.memory_space<semaphore_mem>>) {add = true}
      %dma_start3A_121 = arith.constant 0 : i32
      %dma_start3A_122 = tpu.memref_slice %arg10[%add3A_112, %dma_start3A_121] : memref<32x128xf32, #tpu.memory_space<vmem>> -> memref<1x128xf32, #tpu.memory_space<vmem>>
      %dma_start3A_123 = tpu.memref_squeeze %dma_start3A_122 : memref<1x128xf32, #tpu.memory_space<vmem>> -> memref<128xf32, #tpu.memory_space<vmem>>
      %dma_start3A_124 = arith.constant 0 : i32
      %dma_start3A_125 = tpu.memref_slice %arg8[%add3A_112, %dma_start3A_124] : memref<32x128xi32, #tpu.memory_space<vmem>> -> memref<1x128xi32, #tpu.memory_space<vmem>>
      %dma_start3A_126 = tpu.memref_squeeze %dma_start3A_125 : memref<1x128xi32, #tpu.memory_space<vmem>> -> memref<128xi32, #tpu.memory_space<vmem>>
      %dma_start3A_127 = arith.constant 0 : i32
      %dma_start3A_128 = tpu.memref_slice %arg12[%dma_start3A_127] : memref<262144xf32, #tpu.memory_space<vmem_shared>> -> memref<262144xf32, #tpu.memory_space<vmem_shared>>
      tpu.enqueue_indirect_dma source(%dma_start3A_123 : memref<128xf32, #tpu.memory_space<vmem>>) target(%dma_start3A_128 : memref<262144xf32, #tpu.memory_space<vmem_shared>>) offsets(%dma_start3A_126 : memref<128xi32, #tpu.memory_space<vmem>>) semaphore(%arg13 : memref<!tpu.dma_semaphore, #tpu.memory_space<semaphore_mem>>) {add = true}
      %mul3A_129 = arith.constant 8 : i32
      %mul3A_130 = arith.muli %scan3A_28, %mul3A_129 : i32
      %add3A_131 = arith.constant 5 : i32
      %add3A_132 = arith.addi %mul3A_130, %add3A_131 : i32
      %dma_start3A_133 = arith.constant 0 : i32
      %dma_start3A_134 = tpu.memref_slice %arg9[%add3A_132, %dma_start3A_133] : memref<32x128xf32, #tpu.memory_space<vmem>> -> memref<1x128xf32, #tpu.memory_space<vmem>>
      %dma_start3A_135 = tpu.memref_squeeze %dma_start3A_134 : memref<1x128xf32, #tpu.memory_space<vmem>> -> memref<128xf32, #tpu.memory_space<vmem>>
      %dma_start3A_136 = arith.constant 0 : i32
      %dma_start3A_137 = tpu.memref_slice %arg8[%add3A_132, %dma_start3A_136] : memref<32x128xi32, #tpu.memory_space<vmem>> -> memref<1x128xi32, #tpu.memory_space<vmem>>
      %dma_start3A_138 = tpu.memref_squeeze %dma_start3A_137 : memref<1x128xi32, #tpu.memory_space<vmem>> -> memref<128xi32, #tpu.memory_space<vmem>>
      %dma_start3A_139 = arith.constant 0 : i32
      %dma_start3A_140 = tpu.memref_slice %arg11[%dma_start3A_139] : memref<262144xf32, #tpu.memory_space<vmem_shared>> -> memref<262144xf32, #tpu.memory_space<vmem_shared>>
      tpu.enqueue_indirect_dma source(%dma_start3A_135 : memref<128xf32, #tpu.memory_space<vmem>>) target(%dma_start3A_140 : memref<262144xf32, #tpu.memory_space<vmem_shared>>) offsets(%dma_start3A_138 : memref<128xi32, #tpu.memory_space<vmem>>) semaphore(%arg13 : memref<!tpu.dma_semaphore, #tpu.memory_space<semaphore_mem>>) {add = true}
      %dma_start3A_141 = arith.constant 0 : i32
      %dma_start3A_142 = tpu.memref_slice %arg10[%add3A_132, %dma_start3A_141] : memref<32x128xf32, #tpu.memory_space<vmem>> -> memref<1x128xf32, #tpu.memory_space<vmem>>
      %dma_start3A_143 = tpu.memref_squeeze %dma_start3A_142 : memref<1x128xf32, #tpu.memory_space<vmem>> -> memref<128xf32, #tpu.memory_space<vmem>>
      %dma_start3A_144 = arith.constant 0 : i32
      %dma_start3A_145 = tpu.memref_slice %arg8[%add3A_132, %dma_start3A_144] : memref<32x128xi32, #tpu.memory_space<vmem>> -> memref<1x128xi32, #tpu.memory_space<vmem>>
      %dma_start3A_146 = tpu.memref_squeeze %dma_start3A_145 : memref<1x128xi32, #tpu.memory_space<vmem>> -> memref<128xi32, #tpu.memory_space<vmem>>
      %dma_start3A_147 = arith.constant 0 : i32
      %dma_start3A_148 = tpu.memref_slice %arg12[%dma_start3A_147] : memref<262144xf32, #tpu.memory_space<vmem_shared>> -> memref<262144xf32, #tpu.memory_space<vmem_shared>>
      tpu.enqueue_indirect_dma source(%dma_start3A_143 : memref<128xf32, #tpu.memory_space<vmem>>) target(%dma_start3A_148 : memref<262144xf32, #tpu.memory_space<vmem_shared>>) offsets(%dma_start3A_146 : memref<128xi32, #tpu.memory_space<vmem>>) semaphore(%arg13 : memref<!tpu.dma_semaphore, #tpu.memory_space<semaphore_mem>>) {add = true}
      %mul3A_149 = arith.constant 8 : i32
      %mul3A_150 = arith.muli %scan3A_28, %mul3A_149 : i32
      %add3A_151 = arith.constant 6 : i32
      %add3A_152 = arith.addi %mul3A_150, %add3A_151 : i32
      %dma_start3A_153 = arith.constant 0 : i32
      %dma_start3A_154 = tpu.memref_slice %arg9[%add3A_152, %dma_start3A_153] : memref<32x128xf32, #tpu.memory_space<vmem>> -> memref<1x128xf32, #tpu.memory_space<vmem>>
      %dma_start3A_155 = tpu.memref_squeeze %dma_start3A_154 : memref<1x128xf32, #tpu.memory_space<vmem>> -> memref<128xf32, #tpu.memory_space<vmem>>
      %dma_start3A_156 = arith.constant 0 : i32
      %dma_start3A_157 = tpu.memref_slice %arg8[%add3A_152, %dma_start3A_156] : memref<32x128xi32, #tpu.memory_space<vmem>> -> memref<1x128xi32, #tpu.memory_space<vmem>>
      %dma_start3A_158 = tpu.memref_squeeze %dma_start3A_157 : memref<1x128xi32, #tpu.memory_space<vmem>> -> memref<128xi32, #tpu.memory_space<vmem>>
      %dma_start3A_159 = arith.constant 0 : i32
      %dma_start3A_160 = tpu.memref_slice %arg11[%dma_start3A_159] : memref<262144xf32, #tpu.memory_space<vmem_shared>> -> memref<262144xf32, #tpu.memory_space<vmem_shared>>
      tpu.enqueue_indirect_dma source(%dma_start3A_155 : memref<128xf32, #tpu.memory_space<vmem>>) target(%dma_start3A_160 : memref<262144xf32, #tpu.memory_space<vmem_shared>>) offsets(%dma_start3A_158 : memref<128xi32, #tpu.memory_space<vmem>>) semaphore(%arg13 : memref<!tpu.dma_semaphore, #tpu.memory_space<semaphore_mem>>) {add = true}
      %dma_start3A_161 = arith.constant 0 : i32
      %dma_start3A_162 = tpu.memref_slice %arg10[%add3A_152, %dma_start3A_161] : memref<32x128xf32, #tpu.memory_space<vmem>> -> memref<1x128xf32, #tpu.memory_space<vmem>>
      %dma_start3A_163 = tpu.memref_squeeze %dma_start3A_162 : memref<1x128xf32, #tpu.memory_space<vmem>> -> memref<128xf32, #tpu.memory_space<vmem>>
      %dma_start3A_164 = arith.constant 0 : i32
      %dma_start3A_165 = tpu.memref_slice %arg8[%add3A_152, %dma_start3A_164] : memref<32x128xi32, #tpu.memory_space<vmem>> -> memref<1x128xi32, #tpu.memory_space<vmem>>
      %dma_start3A_166 = tpu.memref_squeeze %dma_start3A_165 : memref<1x128xi32, #tpu.memory_space<vmem>> -> memref<128xi32, #tpu.memory_space<vmem>>
      %dma_start3A_167 = arith.constant 0 : i32
      %dma_start3A_168 = tpu.memref_slice %arg12[%dma_start3A_167] : memref<262144xf32, #tpu.memory_space<vmem_shared>> -> memref<262144xf32, #tpu.memory_space<vmem_shared>>
      tpu.enqueue_indirect_dma source(%dma_start3A_163 : memref<128xf32, #tpu.memory_space<vmem>>) target(%dma_start3A_168 : memref<262144xf32, #tpu.memory_space<vmem_shared>>) offsets(%dma_start3A_166 : memref<128xi32, #tpu.memory_space<vmem>>) semaphore(%arg13 : memref<!tpu.dma_semaphore, #tpu.memory_space<semaphore_mem>>) {add = true}
      %mul3A_169 = arith.constant 8 : i32
      %mul3A_170 = arith.muli %scan3A_28, %mul3A_169 : i32
      %add3A_171 = arith.constant 7 : i32
      %add3A_172 = arith.addi %mul3A_170, %add3A_171 : i32
      %dma_start3A_173 = arith.constant 0 : i32
      %dma_start3A_174 = tpu.memref_slice %arg9[%add3A_172, %dma_start3A_173] : memref<32x128xf32, #tpu.memory_space<vmem>> -> memref<1x128xf32, #tpu.memory_space<vmem>>
      %dma_start3A_175 = tpu.memref_squeeze %dma_start3A_174 : memref<1x128xf32, #tpu.memory_space<vmem>> -> memref<128xf32, #tpu.memory_space<vmem>>
      %dma_start3A_176 = arith.constant 0 : i32
      %dma_start3A_177 = tpu.memref_slice %arg8[%add3A_172, %dma_start3A_176] : memref<32x128xi32, #tpu.memory_space<vmem>> -> memref<1x128xi32, #tpu.memory_space<vmem>>
      %dma_start3A_178 = tpu.memref_squeeze %dma_start3A_177 : memref<1x128xi32, #tpu.memory_space<vmem>> -> memref<128xi32, #tpu.memory_space<vmem>>
      %dma_start3A_179 = arith.constant 0 : i32
      %dma_start3A_180 = tpu.memref_slice %arg11[%dma_start3A_179] : memref<262144xf32, #tpu.memory_space<vmem_shared>> -> memref<262144xf32, #tpu.memory_space<vmem_shared>>
      tpu.enqueue_indirect_dma source(%dma_start3A_175 : memref<128xf32, #tpu.memory_space<vmem>>) target(%dma_start3A_180 : memref<262144xf32, #tpu.memory_space<vmem_shared>>) offsets(%dma_start3A_178 : memref<128xi32, #tpu.memory_space<vmem>>) semaphore(%arg13 : memref<!tpu.dma_semaphore, #tpu.memory_space<semaphore_mem>>) {add = true}
      %dma_start3A_181 = arith.constant 0 : i32
      %dma_start3A_182 = tpu.memref_slice %arg10[%add3A_172, %dma_start3A_181] : memref<32x128xf32, #tpu.memory_space<vmem>> -> memref<1x128xf32, #tpu.memory_space<vmem>>
      %dma_start3A_183 = tpu.memref_squeeze %dma_start3A_182 : memref<1x128xf32, #tpu.memory_space<vmem>> -> memref<128xf32, #tpu.memory_space<vmem>>
      %dma_start3A_184 = arith.constant 0 : i32
      %dma_start3A_185 = tpu.memref_slice %arg8[%add3A_172, %dma_start3A_184] : memref<32x128xi32, #tpu.memory_space<vmem>> -> memref<1x128xi32, #tpu.memory_space<vmem>>
      %dma_start3A_186 = tpu.memref_squeeze %dma_start3A_185 : memref<1x128xi32, #tpu.memory_space<vmem>> -> memref<128xi32, #tpu.memory_space<vmem>>
      %dma_start3A_187 = arith.constant 0 : i32
      %dma_start3A_188 = tpu.memref_slice %arg12[%dma_start3A_187] : memref<262144xf32, #tpu.memory_space<vmem_shared>> -> memref<262144xf32, #tpu.memory_space<vmem_shared>>
      tpu.enqueue_indirect_dma source(%dma_start3A_183 : memref<128xf32, #tpu.memory_space<vmem>>) target(%dma_start3A_188 : memref<262144xf32, #tpu.memory_space<vmem_shared>>) offsets(%dma_start3A_186 : memref<128xi32, #tpu.memory_space<vmem>>) semaphore(%arg13 : memref<!tpu.dma_semaphore, #tpu.memory_space<semaphore_mem>>) {add = true}
      %dma_wait3A = arith.constant 0 : i32
      %dma_wait3A_189 = tpu.memref_slice %arg9[%add3A_33, %dma_wait3A] : memref<32x128xf32, #tpu.memory_space<vmem>> -> memref<1x128xf32, #tpu.memory_space<vmem>>
      %dma_wait3A_190 = tpu.memref_squeeze %dma_wait3A_189 : memref<1x128xf32, #tpu.memory_space<vmem>> -> memref<128xf32, #tpu.memory_space<vmem>>
      %dma_wait3A_191 = arith.constant 0 : i32
      %dma_wait3A_192 = tpu.memref_slice %arg8[%add3A_33, %dma_wait3A_191] : memref<32x128xi32, #tpu.memory_space<vmem>> -> memref<1x128xi32, #tpu.memory_space<vmem>>
      %dma_wait3A_193 = tpu.memref_squeeze %dma_wait3A_192 : memref<1x128xi32, #tpu.memory_space<vmem>> -> memref<128xi32, #tpu.memory_space<vmem>>
      %dma_wait3A_194 = arith.constant 0 : i32
      %dma_wait3A_195 = tpu.memref_slice %arg11[%dma_wait3A_194] : memref<262144xf32, #tpu.memory_space<vmem_shared>> -> memref<262144xf32, #tpu.memory_space<vmem_shared>>
      tpu.wait_indirect_dma semaphore(%arg13 : memref<!tpu.dma_semaphore, #tpu.memory_space<semaphore_mem>>) src(%dma_wait3A_190 : memref<128xf32, #tpu.memory_space<vmem>>) dst(%dma_wait3A_195 : memref<262144xf32, #tpu.memory_space<vmem_shared>>)
      %dma_wait3A_196 = arith.constant 0 : i32
      %dma_wait3A_197 = tpu.memref_slice %arg10[%add3A_33, %dma_wait3A_196] : memref<32x128xf32, #tpu.memory_space<vmem>> -> memref<1x128xf32, #tpu.memory_space<vmem>>
      %dma_wait3A_198 = tpu.memref_squeeze %dma_wait3A_197 : memref<1x128xf32, #tpu.memory_space<vmem>> -> memref<128xf32, #tpu.memory_space<vmem>>
      %dma_wait3A_199 = arith.constant 0 : i32
      %dma_wait3A_200 = tpu.memref_slice %arg8[%add3A_33, %dma_wait3A_199] : memref<32x128xi32, #tpu.memory_space<vmem>> -> memref<1x128xi32, #tpu.memory_space<vmem>>
      %dma_wait3A_201 = tpu.memref_squeeze %dma_wait3A_200 : memref<1x128xi32, #tpu.memory_space<vmem>> -> memref<128xi32, #tpu.memory_space<vmem>>
      %dma_wait3A_202 = arith.constant 0 : i32
      %dma_wait3A_203 = tpu.memref_slice %arg12[%dma_wait3A_202] : memref<262144xf32, #tpu.memory_space<vmem_shared>> -> memref<262144xf32, #tpu.memory_space<vmem_shared>>
      tpu.wait_indirect_dma semaphore(%arg13 : memref<!tpu.dma_semaphore, #tpu.memory_space<semaphore_mem>>) src(%dma_wait3A_198 : memref<128xf32, #tpu.memory_space<vmem>>) dst(%dma_wait3A_203 : memref<262144xf32, #tpu.memory_space<vmem_shared>>)
      %dma_wait3A_204 = arith.constant 0 : i32
      %dma_wait3A_205 = tpu.memref_slice %arg9[%add3A_52, %dma_wait3A_204] : memref<32x128xf32, #tpu.memory_space<vmem>> -> memref<1x128xf32, #tpu.memory_space<vmem>>
      %dma_wait3A_206 = tpu.memref_squeeze %dma_wait3A_205 : memref<1x128xf32, #tpu.memory_space<vmem>> -> memref<128xf32, #tpu.memory_space<vmem>>
      %dma_wait3A_207 = arith.constant 0 : i32
      %dma_wait3A_208 = tpu.memref_slice %arg8[%add3A_52, %dma_wait3A_207] : memref<32x128xi32, #tpu.memory_space<vmem>> -> memref<1x128xi32, #tpu.memory_space<vmem>>
      %dma_wait3A_209 = tpu.memref_squeeze %dma_wait3A_208 : memref<1x128xi32, #tpu.memory_space<vmem>> -> memref<128xi32, #tpu.memory_space<vmem>>
      %dma_wait3A_210 = arith.constant 0 : i32
      %dma_wait3A_211 = tpu.memref_slice %arg11[%dma_wait3A_210] : memref<262144xf32, #tpu.memory_space<vmem_shared>> -> memref<262144xf32, #tpu.memory_space<vmem_shared>>
      tpu.wait_indirect_dma semaphore(%arg13 : memref<!tpu.dma_semaphore, #tpu.memory_space<semaphore_mem>>) src(%dma_wait3A_206 : memref<128xf32, #tpu.memory_space<vmem>>) dst(%dma_wait3A_211 : memref<262144xf32, #tpu.memory_space<vmem_shared>>)
      %dma_wait3A_212 = arith.constant 0 : i32
      %dma_wait3A_213 = tpu.memref_slice %arg10[%add3A_52, %dma_wait3A_212] : memref<32x128xf32, #tpu.memory_space<vmem>> -> memref<1x128xf32, #tpu.memory_space<vmem>>
      %dma_wait3A_214 = tpu.memref_squeeze %dma_wait3A_213 : memref<1x128xf32, #tpu.memory_space<vmem>> -> memref<128xf32, #tpu.memory_space<vmem>>
      %dma_wait3A_215 = arith.constant 0 : i32
      %dma_wait3A_216 = tpu.memref_slice %arg8[%add3A_52, %dma_wait3A_215] : memref<32x128xi32, #tpu.memory_space<vmem>> -> memref<1x128xi32, #tpu.memory_space<vmem>>
      %dma_wait3A_217 = tpu.memref_squeeze %dma_wait3A_216 : memref<1x128xi32, #tpu.memory_space<vmem>> -> memref<128xi32, #tpu.memory_space<vmem>>
      %dma_wait3A_218 = arith.constant 0 : i32
      %dma_wait3A_219 = tpu.memref_slice %arg12[%dma_wait3A_218] : memref<262144xf32, #tpu.memory_space<vmem_shared>> -> memref<262144xf32, #tpu.memory_space<vmem_shared>>
      tpu.wait_indirect_dma semaphore(%arg13 : memref<!tpu.dma_semaphore, #tpu.memory_space<semaphore_mem>>) src(%dma_wait3A_214 : memref<128xf32, #tpu.memory_space<vmem>>) dst(%dma_wait3A_219 : memref<262144xf32, #tpu.memory_space<vmem_shared>>)
      %dma_wait3A_220 = arith.constant 0 : i32
      %dma_wait3A_221 = tpu.memref_slice %arg9[%add3A_72, %dma_wait3A_220] : memref<32x128xf32, #tpu.memory_space<vmem>> -> memref<1x128xf32, #tpu.memory_space<vmem>>
      %dma_wait3A_222 = tpu.memref_squeeze %dma_wait3A_221 : memref<1x128xf32, #tpu.memory_space<vmem>> -> memref<128xf32, #tpu.memory_space<vmem>>
      %dma_wait3A_223 = arith.constant 0 : i32
      %dma_wait3A_224 = tpu.memref_slice %arg8[%add3A_72, %dma_wait3A_223] : memref<32x128xi32, #tpu.memory_space<vmem>> -> memref<1x128xi32, #tpu.memory_space<vmem>>
      %dma_wait3A_225 = tpu.memref_squeeze %dma_wait3A_224 : memref<1x128xi32, #tpu.memory_space<vmem>> -> memref<128xi32, #tpu.memory_space<vmem>>
      %dma_wait3A_226 = arith.constant 0 : i32
      %dma_wait3A_227 = tpu.memref_slice %arg11[%dma_wait3A_226] : memref<262144xf32, #tpu.memory_space<vmem_shared>> -> memref<262144xf32, #tpu.memory_space<vmem_shared>>
      tpu.wait_indirect_dma semaphore(%arg13 : memref<!tpu.dma_semaphore, #tpu.memory_space<semaphore_mem>>) src(%dma_wait3A_222 : memref<128xf32, #tpu.memory_space<vmem>>) dst(%dma_wait3A_227 : memref<262144xf32, #tpu.memory_space<vmem_shared>>)
      %dma_wait3A_228 = arith.constant 0 : i32
      %dma_wait3A_229 = tpu.memref_slice %arg10[%add3A_72, %dma_wait3A_228] : memref<32x128xf32, #tpu.memory_space<vmem>> -> memref<1x128xf32, #tpu.memory_space<vmem>>
      %dma_wait3A_230 = tpu.memref_squeeze %dma_wait3A_229 : memref<1x128xf32, #tpu.memory_space<vmem>> -> memref<128xf32, #tpu.memory_space<vmem>>
      %dma_wait3A_231 = arith.constant 0 : i32
      %dma_wait3A_232 = tpu.memref_slice %arg8[%add3A_72, %dma_wait3A_231] : memref<32x128xi32, #tpu.memory_space<vmem>> -> memref<1x128xi32, #tpu.memory_space<vmem>>
      %dma_wait3A_233 = tpu.memref_squeeze %dma_wait3A_232 : memref<1x128xi32, #tpu.memory_space<vmem>> -> memref<128xi32, #tpu.memory_space<vmem>>
      %dma_wait3A_234 = arith.constant 0 : i32
      %dma_wait3A_235 = tpu.memref_slice %arg12[%dma_wait3A_234] : memref<262144xf32, #tpu.memory_space<vmem_shared>> -> memref<262144xf32, #tpu.memory_space<vmem_shared>>
      tpu.wait_indirect_dma semaphore(%arg13 : memref<!tpu.dma_semaphore, #tpu.memory_space<semaphore_mem>>) src(%dma_wait3A_230 : memref<128xf32, #tpu.memory_space<vmem>>) dst(%dma_wait3A_235 : memref<262144xf32, #tpu.memory_space<vmem_shared>>)
      %dma_wait3A_236 = arith.constant 0 : i32
      %dma_wait3A_237 = tpu.memref_slice %arg9[%add3A_92, %dma_wait3A_236] : memref<32x128xf32, #tpu.memory_space<vmem>> -> memref<1x128xf32, #tpu.memory_space<vmem>>
      %dma_wait3A_238 = tpu.memref_squeeze %dma_wait3A_237 : memref<1x128xf32, #tpu.memory_space<vmem>> -> memref<128xf32, #tpu.memory_space<vmem>>
      %dma_wait3A_239 = arith.constant 0 : i32
      %dma_wait3A_240 = tpu.memref_slice %arg8[%add3A_92, %dma_wait3A_239] : memref<32x128xi32, #tpu.memory_space<vmem>> -> memref<1x128xi32, #tpu.memory_space<vmem>>
      %dma_wait3A_241 = tpu.memref_squeeze %dma_wait3A_240 : memref<1x128xi32, #tpu.memory_space<vmem>> -> memref<128xi32, #tpu.memory_space<vmem>>
      %dma_wait3A_242 = arith.constant 0 : i32
      %dma_wait3A_243 = tpu.memref_slice %arg11[%dma_wait3A_242] : memref<262144xf32, #tpu.memory_space<vmem_shared>> -> memref<262144xf32, #tpu.memory_space<vmem_shared>>
      tpu.wait_indirect_dma semaphore(%arg13 : memref<!tpu.dma_semaphore, #tpu.memory_space<semaphore_mem>>) src(%dma_wait3A_238 : memref<128xf32, #tpu.memory_space<vmem>>) dst(%dma_wait3A_243 : memref<262144xf32, #tpu.memory_space<vmem_shared>>)
      %dma_wait3A_244 = arith.constant 0 : i32
      %dma_wait3A_245 = tpu.memref_slice %arg10[%add3A_92, %dma_wait3A_244] : memref<32x128xf32, #tpu.memory_space<vmem>> -> memref<1x128xf32, #tpu.memory_space<vmem>>
      %dma_wait3A_246 = tpu.memref_squeeze %dma_wait3A_245 : memref<1x128xf32, #tpu.memory_space<vmem>> -> memref<128xf32, #tpu.memory_space<vmem>>
      %dma_wait3A_247 = arith.constant 0 : i32
      %dma_wait3A_248 = tpu.memref_slice %arg8[%add3A_92, %dma_wait3A_247] : memref<32x128xi32, #tpu.memory_space<vmem>> -> memref<1x128xi32, #tpu.memory_space<vmem>>
      %dma_wait3A_249 = tpu.memref_squeeze %dma_wait3A_248 : memref<1x128xi32, #tpu.memory_space<vmem>> -> memref<128xi32, #tpu.memory_space<vmem>>
      %dma_wait3A_250 = arith.constant 0 : i32
      %dma_wait3A_251 = tpu.memref_slice %arg12[%dma_wait3A_250] : memref<262144xf32, #tpu.memory_space<vmem_shared>> -> memref<262144xf32, #tpu.memory_space<vmem_shared>>
      tpu.wait_indirect_dma semaphore(%arg13 : memref<!tpu.dma_semaphore, #tpu.memory_space<semaphore_mem>>) src(%dma_wait3A_246 : memref<128xf32, #tpu.memory_space<vmem>>) dst(%dma_wait3A_251 : memref<262144xf32, #tpu.memory_space<vmem_shared>>)
      %dma_wait3A_252 = arith.constant 0 : i32
      %dma_wait3A_253 = tpu.memref_slice %arg9[%add3A_112, %dma_wait3A_252] : memref<32x128xf32, #tpu.memory_space<vmem>> -> memref<1x128xf32, #tpu.memory_space<vmem>>
      %dma_wait3A_254 = tpu.memref_squeeze %dma_wait3A_253 : memref<1x128xf32, #tpu.memory_space<vmem>> -> memref<128xf32, #tpu.memory_space<vmem>>
      %dma_wait3A_255 = arith.constant 0 : i32
      %dma_wait3A_256 = tpu.memref_slice %arg8[%add3A_112, %dma_wait3A_255] : memref<32x128xi32, #tpu.memory_space<vmem>> -> memref<1x128xi32, #tpu.memory_space<vmem>>
      %dma_wait3A_257 = tpu.memref_squeeze %dma_wait3A_256 : memref<1x128xi32, #tpu.memory_space<vmem>> -> memref<128xi32, #tpu.memory_space<vmem>>
      %dma_wait3A_258 = arith.constant 0 : i32
      %dma_wait3A_259 = tpu.memref_slice %arg11[%dma_wait3A_258] : memref<262144xf32, #tpu.memory_space<vmem_shared>> -> memref<262144xf32, #tpu.memory_space<vmem_shared>>
      tpu.wait_indirect_dma semaphore(%arg13 : memref<!tpu.dma_semaphore, #tpu.memory_space<semaphore_mem>>) src(%dma_wait3A_254 : memref<128xf32, #tpu.memory_space<vmem>>) dst(%dma_wait3A_259 : memref<262144xf32, #tpu.memory_space<vmem_shared>>)
      %dma_wait3A_260 = arith.constant 0 : i32
      %dma_wait3A_261 = tpu.memref_slice %arg10[%add3A_112, %dma_wait3A_260] : memref<32x128xf32, #tpu.memory_space<vmem>> -> memref<1x128xf32, #tpu.memory_space<vmem>>
      %dma_wait3A_262 = tpu.memref_squeeze %dma_wait3A_261 : memref<1x128xf32, #tpu.memory_space<vmem>> -> memref<128xf32, #tpu.memory_space<vmem>>
      %dma_wait3A_263 = arith.constant 0 : i32
      %dma_wait3A_264 = tpu.memref_slice %arg8[%add3A_112, %dma_wait3A_263] : memref<32x128xi32, #tpu.memory_space<vmem>> -> memref<1x128xi32, #tpu.memory_space<vmem>>
      %dma_wait3A_265 = tpu.memref_squeeze %dma_wait3A_264 : memref<1x128xi32, #tpu.memory_space<vmem>> -> memref<128xi32, #tpu.memory_space<vmem>>
      %dma_wait3A_266 = arith.constant 0 : i32
      %dma_wait3A_267 = tpu.memref_slice %arg12[%dma_wait3A_266] : memref<262144xf32, #tpu.memory_space<vmem_shared>> -> memref<262144xf32, #tpu.memory_space<vmem_shared>>
      tpu.wait_indirect_dma semaphore(%arg13 : memref<!tpu.dma_semaphore, #tpu.memory_space<semaphore_mem>>) src(%dma_wait3A_262 : memref<128xf32, #tpu.memory_space<vmem>>) dst(%dma_wait3A_267 : memref<262144xf32, #tpu.memory_space<vmem_shared>>)
      %dma_wait3A_268 = arith.constant 0 : i32
      %dma_wait3A_269 = tpu.memref_slice %arg9[%add3A_132, %dma_wait3A_268] : memref<32x128xf32, #tpu.memory_space<vmem>> -> memref<1x128xf32, #tpu.memory_space<vmem>>
      %dma_wait3A_270 = tpu.memref_squeeze %dma_wait3A_269 : memref<1x128xf32, #tpu.memory_space<vmem>> -> memref<128xf32, #tpu.memory_space<vmem>>
      %dma_wait3A_271 = arith.constant 0 : i32
      %dma_wait3A_272 = tpu.memref_slice %arg8[%add3A_132, %dma_wait3A_271] : memref<32x128xi32, #tpu.memory_space<vmem>> -> memref<1x128xi32, #tpu.memory_space<vmem>>
      %dma_wait3A_273 = tpu.memref_squeeze %dma_wait3A_272 : memref<1x128xi32, #tpu.memory_space<vmem>> -> memref<128xi32, #tpu.memory_space<vmem>>
      %dma_wait3A_274 = arith.constant 0 : i32
      %dma_wait3A_275 = tpu.memref_slice %arg11[%dma_wait3A_274] : memref<262144xf32, #tpu.memory_space<vmem_shared>> -> memref<262144xf32, #tpu.memory_space<vmem_shared>>
      tpu.wait_indirect_dma semaphore(%arg13 : memref<!tpu.dma_semaphore, #tpu.memory_space<semaphore_mem>>) src(%dma_wait3A_270 : memref<128xf32, #tpu.memory_space<vmem>>) dst(%dma_wait3A_275 : memref<262144xf32, #tpu.memory_space<vmem_shared>>)
      %dma_wait3A_276 = arith.constant 0 : i32
      %dma_wait3A_277 = tpu.memref_slice %arg10[%add3A_132, %dma_wait3A_276] : memref<32x128xf32, #tpu.memory_space<vmem>> -> memref<1x128xf32, #tpu.memory_space<vmem>>
      %dma_wait3A_278 = tpu.memref_squeeze %dma_wait3A_277 : memref<1x128xf32, #tpu.memory_space<vmem>> -> memref<128xf32, #tpu.memory_space<vmem>>
      %dma_wait3A_279 = arith.constant 0 : i32
      %dma_wait3A_280 = tpu.memref_slice %arg8[%add3A_132, %dma_wait3A_279] : memref<32x128xi32, #tpu.memory_space<vmem>> -> memref<1x128xi32, #tpu.memory_space<vmem>>
      %dma_wait3A_281 = tpu.memref_squeeze %dma_wait3A_280 : memref<1x128xi32, #tpu.memory_space<vmem>> -> memref<128xi32, #tpu.memory_space<vmem>>
      %dma_wait3A_282 = arith.constant 0 : i32
      %dma_wait3A_283 = tpu.memref_slice %arg12[%dma_wait3A_282] : memref<262144xf32, #tpu.memory_space<vmem_shared>> -> memref<262144xf32, #tpu.memory_space<vmem_shared>>
      tpu.wait_indirect_dma semaphore(%arg13 : memref<!tpu.dma_semaphore, #tpu.memory_space<semaphore_mem>>) src(%dma_wait3A_278 : memref<128xf32, #tpu.memory_space<vmem>>) dst(%dma_wait3A_283 : memref<262144xf32, #tpu.memory_space<vmem_shared>>)
      %dma_wait3A_284 = arith.constant 0 : i32
      %dma_wait3A_285 = tpu.memref_slice %arg9[%add3A_152, %dma_wait3A_284] : memref<32x128xf32, #tpu.memory_space<vmem>> -> memref<1x128xf32, #tpu.memory_space<vmem>>
      %dma_wait3A_286 = tpu.memref_squeeze %dma_wait3A_285 : memref<1x128xf32, #tpu.memory_space<vmem>> -> memref<128xf32, #tpu.memory_space<vmem>>
      %dma_wait3A_287 = arith.constant 0 : i32
      %dma_wait3A_288 = tpu.memref_slice %arg8[%add3A_152, %dma_wait3A_287] : memref<32x128xi32, #tpu.memory_space<vmem>> -> memref<1x128xi32, #tpu.memory_space<vmem>>
      %dma_wait3A_289 = tpu.memref_squeeze %dma_wait3A_288 : memref<1x128xi32, #tpu.memory_space<vmem>> -> memref<128xi32, #tpu.memory_space<vmem>>
      %dma_wait3A_290 = arith.constant 0 : i32
      %dma_wait3A_291 = tpu.memref_slice %arg11[%dma_wait3A_290] : memref<262144xf32, #tpu.memory_space<vmem_shared>> -> memref<262144xf32, #tpu.memory_space<vmem_shared>>
      tpu.wait_indirect_dma semaphore(%arg13 : memref<!tpu.dma_semaphore, #tpu.memory_space<semaphore_mem>>) src(%dma_wait3A_286 : memref<128xf32, #tpu.memory_space<vmem>>) dst(%dma_wait3A_291 : memref<262144xf32, #tpu.memory_space<vmem_shared>>)
      %dma_wait3A_292 = arith.constant 0 : i32
      %dma_wait3A_293 = tpu.memref_slice %arg10[%add3A_152, %dma_wait3A_292] : memref<32x128xf32, #tpu.memory_space<vmem>> -> memref<1x128xf32, #tpu.memory_space<vmem>>
      %dma_wait3A_294 = tpu.memref_squeeze %dma_wait3A_293 : memref<1x128xf32, #tpu.memory_space<vmem>> -> memref<128xf32, #tpu.memory_space<vmem>>
      %dma_wait3A_295 = arith.constant 0 : i32
      %dma_wait3A_296 = tpu.memref_slice %arg8[%add3A_152, %dma_wait3A_295] : memref<32x128xi32, #tpu.memory_space<vmem>> -> memref<1x128xi32, #tpu.memory_space<vmem>>
      %dma_wait3A_297 = tpu.memref_squeeze %dma_wait3A_296 : memref<1x128xi32, #tpu.memory_space<vmem>> -> memref<128xi32, #tpu.memory_space<vmem>>
      %dma_wait3A_298 = arith.constant 0 : i32
      %dma_wait3A_299 = tpu.memref_slice %arg12[%dma_wait3A_298] : memref<262144xf32, #tpu.memory_space<vmem_shared>> -> memref<262144xf32, #tpu.memory_space<vmem_shared>>
      tpu.wait_indirect_dma semaphore(%arg13 : memref<!tpu.dma_semaphore, #tpu.memory_space<semaphore_mem>>) src(%dma_wait3A_294 : memref<128xf32, #tpu.memory_space<vmem>>) dst(%dma_wait3A_299 : memref<262144xf32, #tpu.memory_space<vmem_shared>>)
      %dma_wait3A_300 = arith.constant 0 : i32
      %dma_wait3A_301 = tpu.memref_slice %arg9[%add3A_172, %dma_wait3A_300] : memref<32x128xf32, #tpu.memory_space<vmem>> -> memref<1x128xf32, #tpu.memory_space<vmem>>
      %dma_wait3A_302 = tpu.memref_squeeze %dma_wait3A_301 : memref<1x128xf32, #tpu.memory_space<vmem>> -> memref<128xf32, #tpu.memory_space<vmem>>
      %dma_wait3A_303 = arith.constant 0 : i32
      %dma_wait3A_304 = tpu.memref_slice %arg8[%add3A_172, %dma_wait3A_303] : memref<32x128xi32, #tpu.memory_space<vmem>> -> memref<1x128xi32, #tpu.memory_space<vmem>>
      %dma_wait3A_305 = tpu.memref_squeeze %dma_wait3A_304 : memref<1x128xi32, #tpu.memory_space<vmem>> -> memref<128xi32, #tpu.memory_space<vmem>>
      %dma_wait3A_306 = arith.constant 0 : i32
      %dma_wait3A_307 = tpu.memref_slice %arg11[%dma_wait3A_306] : memref<262144xf32, #tpu.memory_space<vmem_shared>> -> memref<262144xf32, #tpu.memory_space<vmem_shared>>
      tpu.wait_indirect_dma semaphore(%arg13 : memref<!tpu.dma_semaphore, #tpu.memory_space<semaphore_mem>>) src(%dma_wait3A_302 : memref<128xf32, #tpu.memory_space<vmem>>) dst(%dma_wait3A_307 : memref<262144xf32, #tpu.memory_space<vmem_shared>>)
      %dma_wait3A_308 = arith.constant 0 : i32
      %dma_wait3A_309 = tpu.memref_slice %arg10[%add3A_172, %dma_wait3A_308] : memref<32x128xf32, #tpu.memory_space<vmem>> -> memref<1x128xf32, #tpu.memory_space<vmem>>
      %dma_wait3A_310 = tpu.memref_squeeze %dma_wait3A_309 : memref<1x128xf32, #tpu.memory_space<vmem>> -> memref<128xf32, #tpu.memory_space<vmem>>
      %dma_wait3A_311 = arith.constant 0 : i32
      %dma_wait3A_312 = tpu.memref_slice %arg8[%add3A_172, %dma_wait3A_311] : memref<32x128xi32, #tpu.memory_space<vmem>> -> memref<1x128xi32, #tpu.memory_space<vmem>>
      %dma_wait3A_313 = tpu.memref_squeeze %dma_wait3A_312 : memref<1x128xi32, #tpu.memory_space<vmem>> -> memref<128xi32, #tpu.memory_space<vmem>>
      %dma_wait3A_314 = arith.constant 0 : i32
      %dma_wait3A_315 = tpu.memref_slice %arg12[%dma_wait3A_314] : memref<262144xf32, #tpu.memory_space<vmem_shared>> -> memref<262144xf32, #tpu.memory_space<vmem_shared>>
      tpu.wait_indirect_dma semaphore(%arg13 : memref<!tpu.dma_semaphore, #tpu.memory_space<semaphore_mem>>) src(%dma_wait3A_310 : memref<128xf32, #tpu.memory_space<vmem>>) dst(%dma_wait3A_315 : memref<262144xf32, #tpu.memory_space<vmem_shared>>)
      %scan3A_316 = arith.constant 0 : i32
      scf.yield %scan3A_316 : i32
    }
    %scan3A_12 = arith.constant 4 : i32
    %barrier3A_13 = arith.constant 0 : index
    tpu.barrier barrier_id(%barrier3A_13)
    %mul3A_14 = arith.constant 16384 : i32
    %mul3A_15 = arith.muli %arg1, %mul3A_14 : i32
    %mul3A_16 = arith.constant 262144 : i32
    %mul3A_17 = arith.muli %arg0, %mul3A_16 : i32
    %mul3A_18 = arith.constant 16384 : i32
    %mul3A_19 = arith.muli %arg1, %mul3A_18 : i32
    %add3A_20 = arith.addi %mul3A_17, %mul3A_19 : i32
    "tpu.region"() ({
      %run_scoped3A = tpu.sem_alloc : memref<!tpu.dma_semaphore, #tpu.memory_space<semaphore_mem>>
      %dma_start3A = tpu.memref_slice %arg6[%add3A_20] : memref<524288xf32, #tpu.memory_space<hbm>> -> memref<16384xf32, #tpu.memory_space<hbm>>
      %dma_start3A_28 = tpu.memref_slice %arg11[%mul3A_15] : memref<262144xf32, #tpu.memory_space<vmem_shared>> -> memref<16384xf32, #tpu.memory_space<vmem_shared>>
      tpu.enqueue_dma source(%dma_start3A_28 : memref<16384xf32, #tpu.memory_space<vmem_shared>>) target(%dma_start3A : memref<16384xf32, #tpu.memory_space<hbm>>) target_semaphore(%run_scoped3A : memref<!tpu.dma_semaphore, #tpu.memory_space<semaphore_mem>>)
      %dma_wait3A = tpu.memref_slice %arg6[%add3A_20] : memref<524288xf32, #tpu.memory_space<hbm>> -> memref<16384xf32, #tpu.memory_space<hbm>>
      %dma_wait3A_29 = tpu.memref_slice %arg11[%mul3A_15] : memref<262144xf32, #tpu.memory_space<vmem_shared>> -> memref<16384xf32, #tpu.memory_space<vmem_shared>>
      tpu.wait_dma2 semaphore(%run_scoped3A : memref<!tpu.dma_semaphore, #tpu.memory_space<semaphore_mem>>) src(%dma_wait3A_29 : memref<16384xf32, #tpu.memory_space<vmem_shared>>) dst(%dma_wait3A : memref<16384xf32, #tpu.memory_space<hbm>>)
      tpu.yield
    }) : () -> ()
    %mul3A_21 = arith.constant 16384 : i32
    %mul3A_22 = arith.muli %arg1, %mul3A_21 : i32
    %mul3A_23 = arith.constant 262144 : i32
    %mul3A_24 = arith.muli %arg0, %mul3A_23 : i32
    %mul3A_25 = arith.constant 16384 : i32
    %mul3A_26 = arith.muli %arg1, %mul3A_25 : i32
    %add3A_27 = arith.addi %mul3A_24, %mul3A_26 : i32
    "tpu.region"() ({
      %run_scoped3A = tpu.sem_alloc : memref<!tpu.dma_semaphore, #tpu.memory_space<semaphore_mem>>
      %dma_start3A = tpu.memref_slice %arg7[%add3A_27] : memref<524288xf32, #tpu.memory_space<hbm>> -> memref<16384xf32, #tpu.memory_space<hbm>>
      %dma_start3A_28 = tpu.memref_slice %arg12[%mul3A_22] : memref<262144xf32, #tpu.memory_space<vmem_shared>> -> memref<16384xf32, #tpu.memory_space<vmem_shared>>
      tpu.enqueue_dma source(%dma_start3A_28 : memref<16384xf32, #tpu.memory_space<vmem_shared>>) target(%dma_start3A : memref<16384xf32, #tpu.memory_space<hbm>>) target_semaphore(%run_scoped3A : memref<!tpu.dma_semaphore, #tpu.memory_space<semaphore_mem>>)
      %dma_wait3A = tpu.memref_slice %arg7[%add3A_27] : memref<524288xf32, #tpu.memory_space<hbm>> -> memref<16384xf32, #tpu.memory_space<hbm>>
      %dma_wait3A_29 = tpu.memref_slice %arg12[%mul3A_22] : memref<262144xf32, #tpu.memory_space<vmem_shared>> -> memref<16384xf32, #tpu.memory_space<vmem_shared>>
      tpu.wait_dma2 semaphore(%run_scoped3A : memref<!tpu.dma_semaphore, #tpu.memory_space<semaphore_mem>>) src(%dma_wait3A_29 : memref<16384xf32, #tpu.memory_space<vmem_shared>>) dst(%dma_wait3A : memref<16384xf32, #tpu.memory_space<hbm>>)
      tpu.yield
    }) : () -> ()
    return
  }
}

module attributes {stable_mosaic.version = 14 : i64} {
  func.func @_dense_body(%arg0: memref<2x64x4096xf32, #tpu.memory_space<vmem>>, %arg1: memref<2x64x4096xf32, #tpu.memory_space<vmem>>, %arg2: memref<64x4096xi32, #tpu.memory_space<vmem>>, %arg3: memref<64x4096xi32, #tpu.memory_space<vmem>>, %arg4: memref<64x4096xi32, #tpu.memory_space<vmem>>, %arg5: memref<64x4096xi32, #tpu.memory_space<vmem>>) attributes {dimension_semantics = [], scalar_prefetch = 0 : i64, scratch_operands = 0 : i64, tpu.core_type = #tpu.core_type<tc>} {
    %get3A = arith.constant 0 : index
    %get3A_0 = arith.constant 0 : index
    %get3A_1 = arith.constant 0 : index
    %get3A_2 = vector.load %arg0[%get3A, %get3A_0, %get3A_1] : memref<2x64x4096xf32, #tpu.memory_space<vmem>>, vector<1x64x4096xf32>
    %get3A_3 = vector.shape_cast %get3A_2 : vector<1x64x4096xf32> to vector<64x4096xf32>
    %get3A_4 = arith.constant 1 : index
    %get3A_5 = arith.constant 0 : index
    %get3A_6 = arith.constant 0 : index
    %get3A_7 = vector.load %arg0[%get3A_4, %get3A_5, %get3A_6] : memref<2x64x4096xf32, #tpu.memory_space<vmem>>, vector<1x64x4096xf32>
    %get3A_8 = vector.shape_cast %get3A_7 : vector<1x64x4096xf32> to vector<64x4096xf32>
    %add3A = arith.addf %get3A_3, %get3A_8 : vector<64x4096xf32>
    %get3A_9 = arith.constant 0 : index
    %get3A_10 = arith.constant 0 : index
    %get3A_11 = arith.constant 0 : index
    %get3A_12 = vector.load %arg1[%get3A_9, %get3A_10, %get3A_11] : memref<2x64x4096xf32, #tpu.memory_space<vmem>>, vector<1x64x4096xf32>
    %get3A_13 = vector.shape_cast %get3A_12 : vector<1x64x4096xf32> to vector<64x4096xf32>
    %get3A_14 = arith.constant 1 : index
    %get3A_15 = arith.constant 0 : index
    %get3A_16 = arith.constant 0 : index
    %get3A_17 = vector.load %arg1[%get3A_14, %get3A_15, %get3A_16] : memref<2x64x4096xf32, #tpu.memory_space<vmem>>, vector<1x64x4096xf32>
    %get3A_18 = vector.shape_cast %get3A_17 : vector<1x64x4096xf32> to vector<64x4096xf32>
    %add3A_19 = arith.addf %get3A_13, %get3A_18 : vector<64x4096xf32>
    %iota3A = tpu.iota {dimensions = array<i32: 0>} : vector<64x4096xi32>
    %iota3A_20 = tpu.iota {dimensions = array<i32: 1>} : vector<64x4096xi32>
    %jit3A = arith.constant 64 : i32
    %div3A = vector.broadcast %jit3A : i32 to vector<64x4096xi32>
    %div3A_21 = arith.divsi %iota3A_20, %div3A : vector<64x4096xi32>
    %sign3A = arith.constant 0 : i32
    %sign3A_22 = vector.broadcast %sign3A : i32 to vector<64x4096xi32>
    %sign3A_23 = arith.cmpi sgt, %iota3A_20, %sign3A_22 : vector<64x4096xi32>
    %sign3A_24 = arith.extui %sign3A_23 : vector<64x4096xi1> to vector<64x4096xi32>
    %sign3A_25 = arith.constant 0 : i32
    %sign3A_26 = vector.broadcast %sign3A_25 : i32 to vector<64x4096xi32>
    %sign3A_27 = arith.cmpi slt, %iota3A_20, %sign3A_26 : vector<64x4096xi32>
    %sign3A_28 = arith.extui %sign3A_27 : vector<64x4096xi1> to vector<64x4096xi32>
    %sign3A_29 = arith.subi %sign3A_24, %sign3A_28 : vector<64x4096xi32>
    %sign3A_30 = arith.constant 0 : i32
    %sign3A_31 = arith.cmpi sgt, %jit3A, %sign3A_30 : i32
    %sign3A_32 = arith.extui %sign3A_31 : i1 to i32
    %sign3A_33 = arith.constant 0 : i32
    %sign3A_34 = arith.cmpi slt, %jit3A, %sign3A_33 : i32
    %sign3A_35 = arith.extui %sign3A_34 : i1 to i32
    %sign3A_36 = arith.subi %sign3A_32, %sign3A_35 : i32
    %ne3A = vector.broadcast %sign3A_36 : i32 to vector<64x4096xi32>
    %ne3A_37 = arith.cmpi ne, %sign3A_29, %ne3A : vector<64x4096xi32>
    %rem3A = vector.broadcast %jit3A : i32 to vector<64x4096xi32>
    %rem3A_38 = arith.remsi %iota3A_20, %rem3A : vector<64x4096xi32>
    %ne3A_39 = arith.constant 0 : i32
    %ne3A_40 = vector.broadcast %ne3A_39 : i32 to vector<64x4096xi32>
    %ne3A_41 = arith.cmpi ne, %rem3A_38, %ne3A_40 : vector<64x4096xi32>
    %and3A = arith.andi %ne3A_37, %ne3A_41 : vector<64x4096xi1>
    %sub3A = arith.constant 1 : i32
    %sub3A_42 = vector.broadcast %sub3A : i32 to vector<64x4096xi32>
    %sub3A_43 = arith.subi %div3A_21, %sub3A_42 : vector<64x4096xi32>
    %select_n3A = arith.select %and3A, %sub3A_43, %div3A_21 : vector<64x4096xi1>, vector<64x4096xi32>
    %jit3A_44 = arith.constant 64 : i32
    %eq3A = arith.constant 0 : i32
    %eq3A_45 = arith.cmpi eq, %jit3A_44, %eq3A : i32
    %jit3A_46 = arith.constant 1 : i32
    %select_n3A_47 = arith.select %eq3A_45, %jit3A_46, %jit3A_44 : i32
    %rem3A_48 = vector.broadcast %select_n3A_47 : i32 to vector<64x4096xi32>
    %rem3A_49 = arith.remsi %iota3A_20, %rem3A_48 : vector<64x4096xi32>
    %ne3A_50 = arith.constant 0 : i32
    %ne3A_51 = vector.broadcast %ne3A_50 : i32 to vector<64x4096xi32>
    %ne3A_52 = arith.cmpi ne, %rem3A_49, %ne3A_51 : vector<64x4096xi32>
    %lt3A = arith.constant 0 : i32
    %lt3A_53 = vector.broadcast %lt3A : i32 to vector<64x4096xi32>
    %lt3A_54 = arith.cmpi slt, %rem3A_49, %lt3A_53 : vector<64x4096xi32>
    %lt3A_55 = arith.constant 0 : i32
    %lt3A_56 = arith.cmpi slt, %select_n3A_47, %lt3A_55 : i32
    %ne3A_57 = vector.broadcast %lt3A_56 : i1 to vector<64x4096xi1>
    %ne3A_58 = vector.broadcast %ne3A_57 : vector<64x4096xi1> to vector<64x4096xi1>
    %ne3A_59 = arith.xori %lt3A_54, %ne3A_58 : vector<64x4096xi1>
    %and3A_60 = arith.andi %ne3A_59, %ne3A_52 : vector<64x4096xi1>
    %add3A_61 = vector.broadcast %select_n3A_47 : i32 to vector<64x4096xi32>
    %add3A_62 = arith.addi %rem3A_49, %add3A_61 : vector<64x4096xi32>
    %select_n3A_63 = arith.select %and3A_60, %add3A_62, %rem3A_49 : vector<64x4096xi1>, vector<64x4096xi32>
    %gt3A = arith.constant 0.000000e+00 : f32
    %gt3A_64 = vector.broadcast %gt3A : f32 to vector<64x4096xf32>
    %gt3A_65 = arith.cmpf ogt, %add3A_19, %gt3A_64 : vector<64x4096xf32>
    %max3A = arith.constant 1.000000e+00 : f32
    %max3A_66 = vector.broadcast %max3A : f32 to vector<64x4096xf32>
    %max3A_67 = arith.maximumf %add3A_19, %max3A_66 : vector<64x4096xf32>
    %div3A_68 = arith.divf %add3A, %max3A_67 : vector<64x4096xf32>
    %jit3A_69 = arith.constant 0.000000e+00 : f32
    %broadcast_in_dim3A = vector.broadcast %jit3A_69 : f32 to vector<64x4096xf32>
    %select_n3A_70 = arith.select %gt3A_65, %div3A_68, %broadcast_in_dim3A : vector<64x4096xi1>, vector<64x4096xf32>
    %gt3A_71 = arith.constant 0.000000e+00 : f32
    %gt3A_72 = vector.broadcast %gt3A_71 : f32 to vector<64x4096xf32>
    %gt3A_73 = arith.cmpf ogt, %add3A_19, %gt3A_72 : vector<64x4096xf32>
    %convert_element_type3A = arith.extui %gt3A_73 : vector<64x4096xi1> to vector<64x4096xi32>
    %convert_element_type3A_74 = arith.sitofp %convert_element_type3A : vector<64x4096xi32> to vector<64x4096xf32>
    %gt3A_75 = arith.constant 0.000000e+00 : f32
    %gt3A_76 = vector.broadcast %gt3A_75 : f32 to vector<64x4096xf32>
    %gt3A_77 = arith.cmpf ogt, %convert_element_type3A_74, %gt3A_76 : vector<64x4096xf32>
    %max3A_78 = arith.constant 9.99999996E-13 : f32
    %max3A_79 = vector.broadcast %max3A_78 : f32 to vector<64x4096xf32>
    %max3A_80 = arith.maximumf %convert_element_type3A_74, %max3A_79 : vector<64x4096xf32>
    %div3A_81 = arith.divf %select_n3A_70, %max3A_80 : vector<64x4096xf32>
    %jit3A_82 = arith.constant 0.000000e+00 : f32
    %broadcast_in_dim3A_83 = vector.broadcast %jit3A_82 : f32 to vector<64x4096xf32>
    %select_n3A_84 = arith.select %gt3A_77, %div3A_81, %broadcast_in_dim3A_83 : vector<64x4096xi1>, vector<64x4096xf32>
    %broadcast_in_dim3A_85 = arith.constant 0.000000e+00 : f32
    %broadcast_in_dim3A_86 = vector.broadcast %broadcast_in_dim3A_85 : f32 to vector<1x4096xf32>
    %slice3A = vector.extract_strided_slice %select_n3A_84 {offsets = [0, 0], sizes = [63, 4096], strides = [1, 1]} : vector<64x4096xf32> to vector<63x4096xf32>
    %concatenate3A = tpu.concatenate %broadcast_in_dim3A_86, %slice3A in 0 : vector<1x4096xf32>, vector<63x4096xf32> -> vector<64x4096xf32>
    %broadcast_in_dim3A_87 = arith.constant 0.000000e+00 : f32
    %broadcast_in_dim3A_88 = vector.broadcast %broadcast_in_dim3A_87 : f32 to vector<1x4096xf32>
    %slice3A_89 = vector.extract_strided_slice %select_n3A_84 {offsets = [1, 0], sizes = [63, 4096], strides = [1, 1]} : vector<64x4096xf32> to vector<63x4096xf32>
    %concatenate3A_90 = tpu.concatenate %slice3A_89, %broadcast_in_dim3A_88 in 0 : vector<63x4096xf32>, vector<1x4096xf32> -> vector<64x4096xf32>
    %broadcast_in_dim3A_91 = arith.constant 0.000000e+00 : f32
    %broadcast_in_dim3A_92 = vector.broadcast %broadcast_in_dim3A_91 : f32 to vector<64x64xf32>
    %slice3A_93 = vector.extract_strided_slice %select_n3A_84 {offsets = [0, 0], sizes = [64, 4032], strides = [1, 1]} : vector<64x4096xf32> to vector<64x4032xf32>
    %concatenate3A_94 = tpu.concatenate %broadcast_in_dim3A_92, %slice3A_93 in 1 : vector<64x64xf32>, vector<64x4032xf32> -> vector<64x4096xf32>
    %broadcast_in_dim3A_95 = arith.constant 0.000000e+00 : f32
    %broadcast_in_dim3A_96 = vector.broadcast %broadcast_in_dim3A_95 : f32 to vector<64x64xf32>
    %slice3A_97 = vector.extract_strided_slice %select_n3A_84 {offsets = [0, 64], sizes = [64, 4032], strides = [1, 1]} : vector<64x4096xf32> to vector<64x4032xf32>
    %concatenate3A_98 = tpu.concatenate %slice3A_97, %broadcast_in_dim3A_96 in 1 : vector<64x4032xf32>, vector<64x64xf32> -> vector<64x4096xf32>
    %broadcast_in_dim3A_99 = arith.constant 0.000000e+00 : f32
    %broadcast_in_dim3A_100 = vector.broadcast %broadcast_in_dim3A_99 : f32 to vector<64x1xf32>
    %slice3A_101 = vector.extract_strided_slice %select_n3A_84 {offsets = [0, 0], sizes = [64, 4095], strides = [1, 1]} : vector<64x4096xf32> to vector<64x4095xf32>
    %concatenate3A_102 = tpu.concatenate %broadcast_in_dim3A_100, %slice3A_101 in 1 : vector<64x1xf32>, vector<64x4095xf32> -> vector<64x4096xf32>
    %ge3A = arith.constant 1 : i32
    %ge3A_103 = vector.broadcast %ge3A : i32 to vector<64x4096xi32>
    %ge3A_104 = arith.cmpi sge, %select_n3A_63, %ge3A_103 : vector<64x4096xi32>
    %jit3A_105 = arith.constant 0.000000e+00 : f32
    %broadcast_in_dim3A_106 = vector.broadcast %jit3A_105 : f32 to vector<64x4096xf32>
    %select_n3A_107 = arith.select %ge3A_104, %concatenate3A_102, %broadcast_in_dim3A_106 : vector<64x4096xi1>, vector<64x4096xf32>
    %broadcast_in_dim3A_108 = arith.constant 0.000000e+00 : f32
    %broadcast_in_dim3A_109 = vector.broadcast %broadcast_in_dim3A_108 : f32 to vector<64x1xf32>
    %slice3A_110 = vector.extract_strided_slice %select_n3A_84 {offsets = [0, 1], sizes = [64, 4095], strides = [1, 1]} : vector<64x4096xf32> to vector<64x4095xf32>
    %concatenate3A_111 = tpu.concatenate %slice3A_110, %broadcast_in_dim3A_109 in 1 : vector<64x4095xf32>, vector<64x1xf32> -> vector<64x4096xf32>
    %lt3A_112 = arith.constant 63 : i32
    %lt3A_113 = vector.broadcast %lt3A_112 : i32 to vector<64x4096xi32>
    %lt3A_114 = arith.cmpi slt, %select_n3A_63, %lt3A_113 : vector<64x4096xi32>
    %jit3A_115 = arith.constant 0.000000e+00 : f32
    %broadcast_in_dim3A_116 = vector.broadcast %jit3A_115 : f32 to vector<64x4096xf32>
    %select_n3A_117 = arith.select %lt3A_114, %concatenate3A_111, %broadcast_in_dim3A_116 : vector<64x4096xi1>, vector<64x4096xf32>
    %broadcast_in_dim3A_118 = arith.constant 0 : i32
    %broadcast_in_dim3A_119 = vector.broadcast %broadcast_in_dim3A_118 : i32 to vector<64x4096xi32>
    %convert_element_type3A_120 = arith.truncf %concatenate3A : vector<64x4096xf32> to vector<64x4096xbf16>
    %convert_element_type3A_121 = arith.extf %convert_element_type3A_120 : vector<64x4096xbf16> to vector<64x4096xf32>
    %sub3A_122 = arith.subf %convert_element_type3A_121, %select_n3A_84 : vector<64x4096xf32>
    %abs3A = math.absf %sub3A_122 : vector<64x4096xf32>
    %lt3A_123 = arith.constant 0.00999999977 : f32
    %lt3A_124 = vector.broadcast %lt3A_123 : f32 to vector<64x4096xf32>
    %lt3A_125 = arith.cmpf olt, %abs3A, %lt3A_124 : vector<64x4096xf32>
    %and3A_126 = arith.andi %gt3A_77, %lt3A_125 : vector<64x4096xi1>
    %jit3A_127 = arith.constant 1 : i32
    %jit3A_128 = arith.constant 0 : i32
    %broadcast_in_dim3A_129 = vector.broadcast %jit3A_127 : i32 to vector<64x4096xi32>
    %broadcast_in_dim3A_130 = vector.broadcast %jit3A_128 : i32 to vector<64x4096xi32>
    %select_n3A_131 = arith.select %and3A_126, %broadcast_in_dim3A_129, %broadcast_in_dim3A_130 : vector<64x4096xi1>, vector<64x4096xi32>
    %or3A = arith.ori %broadcast_in_dim3A_119, %select_n3A_131 : vector<64x4096xi32>
    %gt3A_132 = arith.constant 0.000000e+00 : f32
    %gt3A_133 = vector.broadcast %gt3A_132 : f32 to vector<64x4096xf32>
    %gt3A_134 = arith.cmpf ogt, %convert_element_type3A_121, %gt3A_133 : vector<64x4096xf32>
    %and3A_135 = arith.andi %gt3A_77, %gt3A_134 : vector<64x4096xi1>
    %jit3A_136 = arith.constant 64 : i32
    %jit3A_137 = arith.constant 0 : i32
    %broadcast_in_dim3A_138 = vector.broadcast %jit3A_136 : i32 to vector<64x4096xi32>
    %broadcast_in_dim3A_139 = vector.broadcast %jit3A_137 : i32 to vector<64x4096xi32>
    %select_n3A_140 = arith.select %and3A_135, %broadcast_in_dim3A_138, %broadcast_in_dim3A_139 : vector<64x4096xi1>, vector<64x4096xi32>
    %or3A_141 = arith.ori %or3A, %select_n3A_140 : vector<64x4096xi32>
    %convert_element_type3A_142 = arith.truncf %concatenate3A_90 : vector<64x4096xf32> to vector<64x4096xbf16>
    %convert_element_type3A_143 = arith.extf %convert_element_type3A_142 : vector<64x4096xbf16> to vector<64x4096xf32>
    %sub3A_144 = arith.subf %convert_element_type3A_143, %select_n3A_84 : vector<64x4096xf32>
    %abs3A_145 = math.absf %sub3A_144 : vector<64x4096xf32>
    %lt3A_146 = arith.constant 0.00999999977 : f32
    %lt3A_147 = vector.broadcast %lt3A_146 : f32 to vector<64x4096xf32>
    %lt3A_148 = arith.cmpf olt, %abs3A_145, %lt3A_147 : vector<64x4096xf32>
    %and3A_149 = arith.andi %gt3A_77, %lt3A_148 : vector<64x4096xi1>
    %jit3A_150 = arith.constant 2 : i32
    %jit3A_151 = arith.constant 0 : i32
    %broadcast_in_dim3A_152 = vector.broadcast %jit3A_150 : i32 to vector<64x4096xi32>
    %broadcast_in_dim3A_153 = vector.broadcast %jit3A_151 : i32 to vector<64x4096xi32>
    %select_n3A_154 = arith.select %and3A_149, %broadcast_in_dim3A_152, %broadcast_in_dim3A_153 : vector<64x4096xi1>, vector<64x4096xi32>
    %or3A_155 = arith.ori %or3A_141, %select_n3A_154 : vector<64x4096xi32>
    %gt3A_156 = arith.constant 0.000000e+00 : f32
    %gt3A_157 = vector.broadcast %gt3A_156 : f32 to vector<64x4096xf32>
    %gt3A_158 = arith.cmpf ogt, %convert_element_type3A_143, %gt3A_157 : vector<64x4096xf32>
    %and3A_159 = arith.andi %gt3A_77, %gt3A_158 : vector<64x4096xi1>
    %jit3A_160 = arith.constant 128 : i32
    %jit3A_161 = arith.constant 0 : i32
    %broadcast_in_dim3A_162 = vector.broadcast %jit3A_160 : i32 to vector<64x4096xi32>
    %broadcast_in_dim3A_163 = vector.broadcast %jit3A_161 : i32 to vector<64x4096xi32>
    %select_n3A_164 = arith.select %and3A_159, %broadcast_in_dim3A_162, %broadcast_in_dim3A_163 : vector<64x4096xi1>, vector<64x4096xi32>
    %or3A_165 = arith.ori %or3A_155, %select_n3A_164 : vector<64x4096xi32>
    %convert_element_type3A_166 = arith.truncf %concatenate3A_94 : vector<64x4096xf32> to vector<64x4096xbf16>
    %convert_element_type3A_167 = arith.extf %convert_element_type3A_166 : vector<64x4096xbf16> to vector<64x4096xf32>
    %sub3A_168 = arith.subf %convert_element_type3A_167, %select_n3A_84 : vector<64x4096xf32>
    %abs3A_169 = math.absf %sub3A_168 : vector<64x4096xf32>
    %lt3A_170 = arith.constant 0.00999999977 : f32
    %lt3A_171 = vector.broadcast %lt3A_170 : f32 to vector<64x4096xf32>
    %lt3A_172 = arith.cmpf olt, %abs3A_169, %lt3A_171 : vector<64x4096xf32>
    %and3A_173 = arith.andi %gt3A_77, %lt3A_172 : vector<64x4096xi1>
    %jit3A_174 = arith.constant 4 : i32
    %jit3A_175 = arith.constant 0 : i32
    %broadcast_in_dim3A_176 = vector.broadcast %jit3A_174 : i32 to vector<64x4096xi32>
    %broadcast_in_dim3A_177 = vector.broadcast %jit3A_175 : i32 to vector<64x4096xi32>
    %select_n3A_178 = arith.select %and3A_173, %broadcast_in_dim3A_176, %broadcast_in_dim3A_177 : vector<64x4096xi1>, vector<64x4096xi32>
    %or3A_179 = arith.ori %or3A_165, %select_n3A_178 : vector<64x4096xi32>
    %gt3A_180 = arith.constant 0.000000e+00 : f32
    %gt3A_181 = vector.broadcast %gt3A_180 : f32 to vector<64x4096xf32>
    %gt3A_182 = arith.cmpf ogt, %convert_element_type3A_167, %gt3A_181 : vector<64x4096xf32>
    %and3A_183 = arith.andi %gt3A_77, %gt3A_182 : vector<64x4096xi1>
    %jit3A_184 = arith.constant 256 : i32
    %jit3A_185 = arith.constant 0 : i32
    %broadcast_in_dim3A_186 = vector.broadcast %jit3A_184 : i32 to vector<64x4096xi32>
    %broadcast_in_dim3A_187 = vector.broadcast %jit3A_185 : i32 to vector<64x4096xi32>
    %select_n3A_188 = arith.select %and3A_183, %broadcast_in_dim3A_186, %broadcast_in_dim3A_187 : vector<64x4096xi1>, vector<64x4096xi32>
    %or3A_189 = arith.ori %or3A_179, %select_n3A_188 : vector<64x4096xi32>
    %convert_element_type3A_190 = arith.truncf %concatenate3A_98 : vector<64x4096xf32> to vector<64x4096xbf16>
    %convert_element_type3A_191 = arith.extf %convert_element_type3A_190 : vector<64x4096xbf16> to vector<64x4096xf32>
    %sub3A_192 = arith.subf %convert_element_type3A_191, %select_n3A_84 : vector<64x4096xf32>
    %abs3A_193 = math.absf %sub3A_192 : vector<64x4096xf32>
    %lt3A_194 = arith.constant 0.00999999977 : f32
    %lt3A_195 = vector.broadcast %lt3A_194 : f32 to vector<64x4096xf32>
    %lt3A_196 = arith.cmpf olt, %abs3A_193, %lt3A_195 : vector<64x4096xf32>
    %and3A_197 = arith.andi %gt3A_77, %lt3A_196 : vector<64x4096xi1>
    %jit3A_198 = arith.constant 8 : i32
    %jit3A_199 = arith.constant 0 : i32
    %broadcast_in_dim3A_200 = vector.broadcast %jit3A_198 : i32 to vector<64x4096xi32>
    %broadcast_in_dim3A_201 = vector.broadcast %jit3A_199 : i32 to vector<64x4096xi32>
    %select_n3A_202 = arith.select %and3A_197, %broadcast_in_dim3A_200, %broadcast_in_dim3A_201 : vector<64x4096xi1>, vector<64x4096xi32>
    %or3A_203 = arith.ori %or3A_189, %select_n3A_202 : vector<64x4096xi32>
    %gt3A_204 = arith.constant 0.000000e+00 : f32
    %gt3A_205 = vector.broadcast %gt3A_204 : f32 to vector<64x4096xf32>
    %gt3A_206 = arith.cmpf ogt, %convert_element_type3A_191, %gt3A_205 : vector<64x4096xf32>
    %and3A_207 = arith.andi %gt3A_77, %gt3A_206 : vector<64x4096xi1>
    %jit3A_208 = arith.constant 512 : i32
    %jit3A_209 = arith.constant 0 : i32
    %broadcast_in_dim3A_210 = vector.broadcast %jit3A_208 : i32 to vector<64x4096xi32>
    %broadcast_in_dim3A_211 = vector.broadcast %jit3A_209 : i32 to vector<64x4096xi32>
    %select_n3A_212 = arith.select %and3A_207, %broadcast_in_dim3A_210, %broadcast_in_dim3A_211 : vector<64x4096xi1>, vector<64x4096xi32>
    %or3A_213 = arith.ori %or3A_203, %select_n3A_212 : vector<64x4096xi32>
    %convert_element_type3A_214 = arith.truncf %select_n3A_107 : vector<64x4096xf32> to vector<64x4096xbf16>
    %convert_element_type3A_215 = arith.extf %convert_element_type3A_214 : vector<64x4096xbf16> to vector<64x4096xf32>
    %sub3A_216 = arith.subf %convert_element_type3A_215, %select_n3A_84 : vector<64x4096xf32>
    %abs3A_217 = math.absf %sub3A_216 : vector<64x4096xf32>
    %lt3A_218 = arith.constant 0.00999999977 : f32
    %lt3A_219 = vector.broadcast %lt3A_218 : f32 to vector<64x4096xf32>
    %lt3A_220 = arith.cmpf olt, %abs3A_217, %lt3A_219 : vector<64x4096xf32>
    %and3A_221 = arith.andi %gt3A_77, %lt3A_220 : vector<64x4096xi1>
    %jit3A_222 = arith.constant 16 : i32
    %jit3A_223 = arith.constant 0 : i32
    %broadcast_in_dim3A_224 = vector.broadcast %jit3A_222 : i32 to vector<64x4096xi32>
    %broadcast_in_dim3A_225 = vector.broadcast %jit3A_223 : i32 to vector<64x4096xi32>
    %select_n3A_226 = arith.select %and3A_221, %broadcast_in_dim3A_224, %broadcast_in_dim3A_225 : vector<64x4096xi1>, vector<64x4096xi32>
    %or3A_227 = arith.ori %or3A_213, %select_n3A_226 : vector<64x4096xi32>
    %gt3A_228 = arith.constant 0.000000e+00 : f32
    %gt3A_229 = vector.broadcast %gt3A_228 : f32 to vector<64x4096xf32>
    %gt3A_230 = arith.cmpf ogt, %convert_element_type3A_215, %gt3A_229 : vector<64x4096xf32>
    %and3A_231 = arith.andi %gt3A_77, %gt3A_230 : vector<64x4096xi1>
    %jit3A_232 = arith.constant 1024 : i32
    %jit3A_233 = arith.constant 0 : i32
    %broadcast_in_dim3A_234 = vector.broadcast %jit3A_232 : i32 to vector<64x4096xi32>
    %broadcast_in_dim3A_235 = vector.broadcast %jit3A_233 : i32 to vector<64x4096xi32>
    %select_n3A_236 = arith.select %and3A_231, %broadcast_in_dim3A_234, %broadcast_in_dim3A_235 : vector<64x4096xi1>, vector<64x4096xi32>
    %or3A_237 = arith.ori %or3A_227, %select_n3A_236 : vector<64x4096xi32>
    %convert_element_type3A_238 = arith.truncf %select_n3A_117 : vector<64x4096xf32> to vector<64x4096xbf16>
    %convert_element_type3A_239 = arith.extf %convert_element_type3A_238 : vector<64x4096xbf16> to vector<64x4096xf32>
    %sub3A_240 = arith.subf %convert_element_type3A_239, %select_n3A_84 : vector<64x4096xf32>
    %abs3A_241 = math.absf %sub3A_240 : vector<64x4096xf32>
    %lt3A_242 = arith.constant 0.00999999977 : f32
    %lt3A_243 = vector.broadcast %lt3A_242 : f32 to vector<64x4096xf32>
    %lt3A_244 = arith.cmpf olt, %abs3A_241, %lt3A_243 : vector<64x4096xf32>
    %and3A_245 = arith.andi %gt3A_77, %lt3A_244 : vector<64x4096xi1>
    %jit3A_246 = arith.constant 32 : i32
    %jit3A_247 = arith.constant 0 : i32
    %broadcast_in_dim3A_248 = vector.broadcast %jit3A_246 : i32 to vector<64x4096xi32>
    %broadcast_in_dim3A_249 = vector.broadcast %jit3A_247 : i32 to vector<64x4096xi32>
    %select_n3A_250 = arith.select %and3A_245, %broadcast_in_dim3A_248, %broadcast_in_dim3A_249 : vector<64x4096xi1>, vector<64x4096xi32>
    %or3A_251 = arith.ori %or3A_237, %select_n3A_250 : vector<64x4096xi32>
    %gt3A_252 = arith.constant 0.000000e+00 : f32
    %gt3A_253 = vector.broadcast %gt3A_252 : f32 to vector<64x4096xf32>
    %gt3A_254 = arith.cmpf ogt, %convert_element_type3A_239, %gt3A_253 : vector<64x4096xf32>
    %and3A_255 = arith.andi %gt3A_77, %gt3A_254 : vector<64x4096xi1>
    %jit3A_256 = arith.constant 2048 : i32
    %jit3A_257 = arith.constant 0 : i32
    %broadcast_in_dim3A_258 = vector.broadcast %jit3A_256 : i32 to vector<64x4096xi32>
    %broadcast_in_dim3A_259 = vector.broadcast %jit3A_257 : i32 to vector<64x4096xi32>
    %select_n3A_260 = arith.select %and3A_255, %broadcast_in_dim3A_258, %broadcast_in_dim3A_259 : vector<64x4096xi1>, vector<64x4096xi32>
    %or3A_261 = arith.ori %or3A_251, %select_n3A_260 : vector<64x4096xi32>
    %swap3A = arith.constant 0 : index
    %swap3A_262 = arith.constant 0 : index
    %swap3A_263 = vector.load %arg2[%swap3A, %swap3A_262] : memref<64x4096xi32, #tpu.memory_space<vmem>>, vector<64x4096xi32>
    tpu.vector_store %arg2[%swap3A, %swap3A_262], %or3A_261 {strides = array<i32>} : memref<64x4096xi32, #tpu.memory_space<vmem>>, vector<64x4096xi32>,
    %broadcast_in_dim3A_264 = arith.constant 0.000000e+00 : f32
    %broadcast_in_dim3A_265 = vector.broadcast %broadcast_in_dim3A_264 : f32 to vector<1x4096xf32>
    %slice3A_266 = vector.extract_strided_slice %select_n3A_70 {offsets = [1, 0], sizes = [63, 4096], strides = [1, 1]} : vector<64x4096xf32> to vector<63x4096xf32>
    %concatenate3A_267 = tpu.concatenate %slice3A_266, %broadcast_in_dim3A_265 in 0 : vector<63x4096xf32>, vector<1x4096xf32> -> vector<64x4096xf32>
    %add3A_268 = arith.addf %select_n3A_70, %concatenate3A_267 : vector<64x4096xf32>
    %broadcast_in_dim3A_269 = arith.constant 0.000000e+00 : f32
    %broadcast_in_dim3A_270 = vector.broadcast %broadcast_in_dim3A_269 : f32 to vector<64x64xf32>
    %slice3A_271 = vector.extract_strided_slice %add3A_268 {offsets = [0, 64], sizes = [64, 4032], strides = [1, 1]} : vector<64x4096xf32> to vector<64x4032xf32>
    %concatenate3A_272 = tpu.concatenate %slice3A_271, %broadcast_in_dim3A_270 in 1 : vector<64x4032xf32>, vector<64x64xf32> -> vector<64x4096xf32>
    %add3A_273 = arith.addf %add3A_268, %concatenate3A_272 : vector<64x4096xf32>
    %broadcast_in_dim3A_274 = arith.constant 0.000000e+00 : f32
    %broadcast_in_dim3A_275 = vector.broadcast %broadcast_in_dim3A_274 : f32 to vector<64x1xf32>
    %slice3A_276 = vector.extract_strided_slice %add3A_273 {offsets = [0, 1], sizes = [64, 4095], strides = [1, 1]} : vector<64x4096xf32> to vector<64x4095xf32>
    %concatenate3A_277 = tpu.concatenate %slice3A_276, %broadcast_in_dim3A_275 in 1 : vector<64x4095xf32>, vector<64x1xf32> -> vector<64x4096xf32>
    %add3A_278 = arith.addf %add3A_273, %concatenate3A_277 : vector<64x4096xf32>
    %broadcast_in_dim3A_279 = arith.constant 0.000000e+00 : f32
    %broadcast_in_dim3A_280 = vector.broadcast %broadcast_in_dim3A_279 : f32 to vector<1x4096xf32>
    %slice3A_281 = vector.extract_strided_slice %convert_element_type3A_74 {offsets = [1, 0], sizes = [63, 4096], strides = [1, 1]} : vector<64x4096xf32> to vector<63x4096xf32>
    %concatenate3A_282 = tpu.concatenate %slice3A_281, %broadcast_in_dim3A_280 in 0 : vector<63x4096xf32>, vector<1x4096xf32> -> vector<64x4096xf32>
    %add3A_283 = arith.addf %convert_element_type3A_74, %concatenate3A_282 : vector<64x4096xf32>
    %broadcast_in_dim3A_284 = arith.constant 0.000000e+00 : f32
    %broadcast_in_dim3A_285 = vector.broadcast %broadcast_in_dim3A_284 : f32 to vector<64x64xf32>
    %slice3A_286 = vector.extract_strided_slice %add3A_283 {offsets = [0, 64], sizes = [64, 4032], strides = [1, 1]} : vector<64x4096xf32> to vector<64x4032xf32>
    %concatenate3A_287 = tpu.concatenate %slice3A_286, %broadcast_in_dim3A_285 in 1 : vector<64x4032xf32>, vector<64x64xf32> -> vector<64x4096xf32>
    %add3A_288 = arith.addf %add3A_283, %concatenate3A_287 : vector<64x4096xf32>
    %broadcast_in_dim3A_289 = arith.constant 0.000000e+00 : f32
    %broadcast_in_dim3A_290 = vector.broadcast %broadcast_in_dim3A_289 : f32 to vector<64x1xf32>
    %slice3A_291 = vector.extract_strided_slice %add3A_288 {offsets = [0, 1], sizes = [64, 4095], strides = [1, 1]} : vector<64x4096xf32> to vector<64x4095xf32>
    %concatenate3A_292 = tpu.concatenate %slice3A_291, %broadcast_in_dim3A_290 in 1 : vector<64x4095xf32>, vector<64x1xf32> -> vector<64x4096xf32>
    %add3A_293 = arith.addf %add3A_288, %concatenate3A_292 : vector<64x4096xf32>
    %jit3A_294 = arith.constant 2 : i32
    %eq3A_295 = arith.constant 0 : i32
    %eq3A_296 = arith.cmpi eq, %jit3A_294, %eq3A_295 : i32
    %jit3A_297 = arith.constant 1 : i32
    %select_n3A_298 = arith.select %eq3A_296, %jit3A_297, %jit3A_294 : i32
    %rem3A_299 = vector.broadcast %select_n3A_298 : i32 to vector<64x4096xi32>
    %rem3A_300 = arith.remsi %iota3A, %rem3A_299 : vector<64x4096xi32>
    %ne3A_301 = arith.constant 0 : i32
    %ne3A_302 = vector.broadcast %ne3A_301 : i32 to vector<64x4096xi32>
    %ne3A_303 = arith.cmpi ne, %rem3A_300, %ne3A_302 : vector<64x4096xi32>
    %lt3A_304 = arith.constant 0 : i32
    %lt3A_305 = vector.broadcast %lt3A_304 : i32 to vector<64x4096xi32>
    %lt3A_306 = arith.cmpi slt, %rem3A_300, %lt3A_305 : vector<64x4096xi32>
    %lt3A_307 = arith.constant 0 : i32
    %lt3A_308 = arith.cmpi slt, %select_n3A_298, %lt3A_307 : i32
    %ne3A_309 = vector.broadcast %lt3A_308 : i1 to vector<64x4096xi1>
    %ne3A_310 = vector.broadcast %ne3A_309 : vector<64x4096xi1> to vector<64x4096xi1>
    %ne3A_311 = arith.xori %lt3A_306, %ne3A_310 : vector<64x4096xi1>
    %and3A_312 = arith.andi %ne3A_311, %ne3A_303 : vector<64x4096xi1>
    %add3A_313 = vector.broadcast %select_n3A_298 : i32 to vector<64x4096xi32>
    %add3A_314 = arith.addi %rem3A_300, %add3A_313 : vector<64x4096xi32>
    %select_n3A_315 = arith.select %and3A_312, %add3A_314, %rem3A_300 : vector<64x4096xi1>, vector<64x4096xi32>
    %eq3A_316 = arith.constant 0 : i32
    %eq3A_317 = vector.broadcast %eq3A_316 : i32 to vector<64x4096xi32>
    %eq3A_318 = arith.cmpi eq, %select_n3A_315, %eq3A_317 : vector<64x4096xi32>
    %jit3A_319 = arith.constant 2 : i32
    %eq3A_320 = arith.constant 0 : i32
    %eq3A_321 = arith.cmpi eq, %jit3A_319, %eq3A_320 : i32
    %jit3A_322 = arith.constant 1 : i32
    %select_n3A_323 = arith.select %eq3A_321, %jit3A_322, %jit3A_319 : i32
    %rem3A_324 = vector.broadcast %select_n3A_323 : i32 to vector<64x4096xi32>
    %rem3A_325 = arith.remsi %select_n3A, %rem3A_324 : vector<64x4096xi32>
    %ne3A_326 = arith.constant 0 : i32
    %ne3A_327 = vector.broadcast %ne3A_326 : i32 to vector<64x4096xi32>
    %ne3A_328 = arith.cmpi ne, %rem3A_325, %ne3A_327 : vector<64x4096xi32>
    %lt3A_329 = arith.constant 0 : i32
    %lt3A_330 = vector.broadcast %lt3A_329 : i32 to vector<64x4096xi32>
    %lt3A_331 = arith.cmpi slt, %rem3A_325, %lt3A_330 : vector<64x4096xi32>
    %lt3A_332 = arith.constant 0 : i32
    %lt3A_333 = arith.cmpi slt, %select_n3A_323, %lt3A_332 : i32
    %ne3A_334 = vector.broadcast %lt3A_333 : i1 to vector<64x4096xi1>
    %ne3A_335 = vector.broadcast %ne3A_334 : vector<64x4096xi1> to vector<64x4096xi1>
    %ne3A_336 = arith.xori %lt3A_331, %ne3A_335 : vector<64x4096xi1>
    %and3A_337 = arith.andi %ne3A_336, %ne3A_328 : vector<64x4096xi1>
    %add3A_338 = vector.broadcast %select_n3A_323 : i32 to vector<64x4096xi32>
    %add3A_339 = arith.addi %rem3A_325, %add3A_338 : vector<64x4096xi32>
    %select_n3A_340 = arith.select %and3A_337, %add3A_339, %rem3A_325 : vector<64x4096xi1>, vector<64x4096xi32>
    %eq3A_341 = arith.constant 0 : i32
    %eq3A_342 = vector.broadcast %eq3A_341 : i32 to vector<64x4096xi32>
    %eq3A_343 = arith.cmpi eq, %select_n3A_340, %eq3A_342 : vector<64x4096xi32>
    %and3A_344 = arith.andi %eq3A_318, %eq3A_343 : vector<64x4096xi1>
    %jit3A_345 = arith.constant 2 : i32
    %eq3A_346 = arith.constant 0 : i32
    %eq3A_347 = arith.cmpi eq, %jit3A_345, %eq3A_346 : i32
    %jit3A_348 = arith.constant 1 : i32
    %select_n3A_349 = arith.select %eq3A_347, %jit3A_348, %jit3A_345 : i32
    %rem3A_350 = vector.broadcast %select_n3A_349 : i32 to vector<64x4096xi32>
    %rem3A_351 = arith.remsi %select_n3A_63, %rem3A_350 : vector<64x4096xi32>
    %ne3A_352 = arith.constant 0 : i32
    %ne3A_353 = vector.broadcast %ne3A_352 : i32 to vector<64x4096xi32>
    %ne3A_354 = arith.cmpi ne, %rem3A_351, %ne3A_353 : vector<64x4096xi32>
    %lt3A_355 = arith.constant 0 : i32
    %lt3A_356 = vector.broadcast %lt3A_355 : i32 to vector<64x4096xi32>
    %lt3A_357 = arith.cmpi slt, %rem3A_351, %lt3A_356 : vector<64x4096xi32>
    %lt3A_358 = arith.constant 0 : i32
    %lt3A_359 = arith.cmpi slt, %select_n3A_349, %lt3A_358 : i32
    %ne3A_360 = vector.broadcast %lt3A_359 : i1 to vector<64x4096xi1>
    %ne3A_361 = vector.broadcast %ne3A_360 : vector<64x4096xi1> to vector<64x4096xi1>
    %ne3A_362 = arith.xori %lt3A_357, %ne3A_361 : vector<64x4096xi1>
    %and3A_363 = arith.andi %ne3A_362, %ne3A_354 : vector<64x4096xi1>
    %add3A_364 = vector.broadcast %select_n3A_349 : i32 to vector<64x4096xi32>
    %add3A_365 = arith.addi %rem3A_351, %add3A_364 : vector<64x4096xi32>
    %select_n3A_366 = arith.select %and3A_363, %add3A_365, %rem3A_351 : vector<64x4096xi1>, vector<64x4096xi32>
    %eq3A_367 = arith.constant 0 : i32
    %eq3A_368 = vector.broadcast %eq3A_367 : i32 to vector<64x4096xi32>
    %eq3A_369 = arith.cmpi eq, %select_n3A_366, %eq3A_368 : vector<64x4096xi32>
    %and3A_370 = arith.andi %and3A_344, %eq3A_369 : vector<64x4096xi1>
    %gt3A_371 = arith.constant 0.000000e+00 : f32
    %gt3A_372 = vector.broadcast %gt3A_371 : f32 to vector<64x4096xf32>
    %gt3A_373 = arith.cmpf ogt, %add3A_293, %gt3A_372 : vector<64x4096xf32>
    %and3A_374 = arith.andi %and3A_370, %gt3A_373 : vector<64x4096xi1>
    %max3A_375 = arith.constant 9.99999996E-13 : f32
    %max3A_376 = vector.broadcast %max3A_375 : f32 to vector<64x4096xf32>
    %max3A_377 = arith.maximumf %add3A_293, %max3A_376 : vector<64x4096xf32>
    %div3A_378 = arith.divf %add3A_278, %max3A_377 : vector<64x4096xf32>
    %jit3A_379 = arith.constant 0.000000e+00 : f32
    %broadcast_in_dim3A_380 = vector.broadcast %jit3A_379 : f32 to vector<64x4096xf32>
    %select_n3A_381 = arith.select %and3A_374, %div3A_378, %broadcast_in_dim3A_380 : vector<64x4096xi1>, vector<64x4096xf32>
    %broadcast_in_dim3A_382 = arith.constant 0.000000e+00 : f32
    %broadcast_in_dim3A_383 = vector.broadcast %broadcast_in_dim3A_382 : f32 to vector<2x4096xf32>
    %slice3A_384 = vector.extract_strided_slice %select_n3A_381 {offsets = [0, 0], sizes = [62, 4096], strides = [1, 1]} : vector<64x4096xf32> to vector<62x4096xf32>
    %concatenate3A_385 = tpu.concatenate %broadcast_in_dim3A_383, %slice3A_384 in 0 : vector<2x4096xf32>, vector<62x4096xf32> -> vector<64x4096xf32>
    %broadcast_in_dim3A_386 = arith.constant 0.000000e+00 : f32
    %broadcast_in_dim3A_387 = vector.broadcast %broadcast_in_dim3A_386 : f32 to vector<2x4096xf32>
    %slice3A_388 = vector.extract_strided_slice %select_n3A_381 {offsets = [2, 0], sizes = [62, 4096], strides = [1, 1]} : vector<64x4096xf32> to vector<62x4096xf32>
    %concatenate3A_389 = tpu.concatenate %slice3A_388, %broadcast_in_dim3A_387 in 0 : vector<62x4096xf32>, vector<2x4096xf32> -> vector<64x4096xf32>
    %broadcast_in_dim3A_390 = arith.constant 0.000000e+00 : f32
    %broadcast_in_dim3A_391 = vector.broadcast %broadcast_in_dim3A_390 : f32 to vector<64x128xf32>
    %slice3A_392 = vector.extract_strided_slice %select_n3A_381 {offsets = [0, 0], sizes = [64, 3968], strides = [1, 1]} : vector<64x4096xf32> to vector<64x3968xf32>
    %concatenate3A_393 = tpu.concatenate %broadcast_in_dim3A_391, %slice3A_392 in 1 : vector<64x128xf32>, vector<64x3968xf32> -> vector<64x4096xf32>
    %broadcast_in_dim3A_394 = arith.constant 0.000000e+00 : f32
    %broadcast_in_dim3A_395 = vector.broadcast %broadcast_in_dim3A_394 : f32 to vector<64x128xf32>
    %slice3A_396 = vector.extract_strided_slice %select_n3A_381 {offsets = [0, 128], sizes = [64, 3968], strides = [1, 1]} : vector<64x4096xf32> to vector<64x3968xf32>
    %concatenate3A_397 = tpu.concatenate %slice3A_396, %broadcast_in_dim3A_395 in 1 : vector<64x3968xf32>, vector<64x128xf32> -> vector<64x4096xf32>
    %broadcast_in_dim3A_398 = arith.constant 0.000000e+00 : f32
    %broadcast_in_dim3A_399 = vector.broadcast %broadcast_in_dim3A_398 : f32 to vector<64x2xf32>
    %slice3A_400 = vector.extract_strided_slice %select_n3A_381 {offsets = [0, 0], sizes = [64, 4094], strides = [1, 1]} : vector<64x4096xf32> to vector<64x4094xf32>
    %concatenate3A_401 = tpu.concatenate %broadcast_in_dim3A_399, %slice3A_400 in 1 : vector<64x2xf32>, vector<64x4094xf32> -> vector<64x4096xf32>
    %ge3A_402 = arith.constant 2 : i32
    %ge3A_403 = vector.broadcast %ge3A_402 : i32 to vector<64x4096xi32>
    %ge3A_404 = arith.cmpi sge, %select_n3A_63, %ge3A_403 : vector<64x4096xi32>
    %jit3A_405 = arith.constant 0.000000e+00 : f32
    %broadcast_in_dim3A_406 = vector.broadcast %jit3A_405 : f32 to vector<64x4096xf32>
    %select_n3A_407 = arith.select %ge3A_404, %concatenate3A_401, %broadcast_in_dim3A_406 : vector<64x4096xi1>, vector<64x4096xf32>
    %broadcast_in_dim3A_408 = arith.constant 0.000000e+00 : f32
    %broadcast_in_dim3A_409 = vector.broadcast %broadcast_in_dim3A_408 : f32 to vector<64x2xf32>
    %slice3A_410 = vector.extract_strided_slice %select_n3A_381 {offsets = [0, 2], sizes = [64, 4094], strides = [1, 1]} : vector<64x4096xf32> to vector<64x4094xf32>
    %concatenate3A_411 = tpu.concatenate %slice3A_410, %broadcast_in_dim3A_409 in 1 : vector<64x4094xf32>, vector<64x2xf32> -> vector<64x4096xf32>
    %lt3A_412 = arith.constant 62 : i32
    %lt3A_413 = vector.broadcast %lt3A_412 : i32 to vector<64x4096xi32>
    %lt3A_414 = arith.cmpi slt, %select_n3A_63, %lt3A_413 : vector<64x4096xi32>
    %jit3A_415 = arith.constant 0.000000e+00 : f32
    %broadcast_in_dim3A_416 = vector.broadcast %jit3A_415 : f32 to vector<64x4096xf32>
    %select_n3A_417 = arith.select %lt3A_414, %concatenate3A_411, %broadcast_in_dim3A_416 : vector<64x4096xi1>, vector<64x4096xf32>
    %broadcast_in_dim3A_418 = arith.constant 0 : i32
    %broadcast_in_dim3A_419 = vector.broadcast %broadcast_in_dim3A_418 : i32 to vector<64x4096xi32>
    %convert_element_type3A_420 = arith.truncf %concatenate3A_385 : vector<64x4096xf32> to vector<64x4096xbf16>
    %convert_element_type3A_421 = arith.extf %convert_element_type3A_420 : vector<64x4096xbf16> to vector<64x4096xf32>
    %sub3A_422 = arith.subf %convert_element_type3A_421, %select_n3A_381 : vector<64x4096xf32>
    %abs3A_423 = math.absf %sub3A_422 : vector<64x4096xf32>
    %lt3A_424 = arith.constant 0.00999999977 : f32
    %lt3A_425 = vector.broadcast %lt3A_424 : f32 to vector<64x4096xf32>
    %lt3A_426 = arith.cmpf olt, %abs3A_423, %lt3A_425 : vector<64x4096xf32>
    %and3A_427 = arith.andi %and3A_374, %lt3A_426 : vector<64x4096xi1>
    %jit3A_428 = arith.constant 1 : i32
    %jit3A_429 = arith.constant 0 : i32
    %broadcast_in_dim3A_430 = vector.broadcast %jit3A_428 : i32 to vector<64x4096xi32>
    %broadcast_in_dim3A_431 = vector.broadcast %jit3A_429 : i32 to vector<64x4096xi32>
    %select_n3A_432 = arith.select %and3A_427, %broadcast_in_dim3A_430, %broadcast_in_dim3A_431 : vector<64x4096xi1>, vector<64x4096xi32>
    %or3A_433 = arith.ori %broadcast_in_dim3A_419, %select_n3A_432 : vector<64x4096xi32>
    %gt3A_434 = arith.constant 0.000000e+00 : f32
    %gt3A_435 = vector.broadcast %gt3A_434 : f32 to vector<64x4096xf32>
    %gt3A_436 = arith.cmpf ogt, %convert_element_type3A_421, %gt3A_435 : vector<64x4096xf32>
    %and3A_437 = arith.andi %and3A_374, %gt3A_436 : vector<64x4096xi1>
    %jit3A_438 = arith.constant 64 : i32
    %jit3A_439 = arith.constant 0 : i32
    %broadcast_in_dim3A_440 = vector.broadcast %jit3A_438 : i32 to vector<64x4096xi32>
    %broadcast_in_dim3A_441 = vector.broadcast %jit3A_439 : i32 to vector<64x4096xi32>
    %select_n3A_442 = arith.select %and3A_437, %broadcast_in_dim3A_440, %broadcast_in_dim3A_441 : vector<64x4096xi1>, vector<64x4096xi32>
    %or3A_443 = arith.ori %or3A_433, %select_n3A_442 : vector<64x4096xi32>
    %convert_element_type3A_444 = arith.truncf %concatenate3A_389 : vector<64x4096xf32> to vector<64x4096xbf16>
    %convert_element_type3A_445 = arith.extf %convert_element_type3A_444 : vector<64x4096xbf16> to vector<64x4096xf32>
    %sub3A_446 = arith.subf %convert_element_type3A_445, %select_n3A_381 : vector<64x4096xf32>
    %abs3A_447 = math.absf %sub3A_446 : vector<64x4096xf32>
    %lt3A_448 = arith.constant 0.00999999977 : f32
    %lt3A_449 = vector.broadcast %lt3A_448 : f32 to vector<64x4096xf32>
    %lt3A_450 = arith.cmpf olt, %abs3A_447, %lt3A_449 : vector<64x4096xf32>
    %and3A_451 = arith.andi %and3A_374, %lt3A_450 : vector<64x4096xi1>
    %jit3A_452 = arith.constant 2 : i32
    %jit3A_453 = arith.constant 0 : i32
    %broadcast_in_dim3A_454 = vector.broadcast %jit3A_452 : i32 to vector<64x4096xi32>
    %broadcast_in_dim3A_455 = vector.broadcast %jit3A_453 : i32 to vector<64x4096xi32>
    %select_n3A_456 = arith.select %and3A_451, %broadcast_in_dim3A_454, %broadcast_in_dim3A_455 : vector<64x4096xi1>, vector<64x4096xi32>
    %or3A_457 = arith.ori %or3A_443, %select_n3A_456 : vector<64x4096xi32>
    %gt3A_458 = arith.constant 0.000000e+00 : f32
    %gt3A_459 = vector.broadcast %gt3A_458 : f32 to vector<64x4096xf32>
    %gt3A_460 = arith.cmpf ogt, %convert_element_type3A_445, %gt3A_459 : vector<64x4096xf32>
    %and3A_461 = arith.andi %and3A_374, %gt3A_460 : vector<64x4096xi1>
    %jit3A_462 = arith.constant 128 : i32
    %jit3A_463 = arith.constant 0 : i32
    %broadcast_in_dim3A_464 = vector.broadcast %jit3A_462 : i32 to vector<64x4096xi32>
    %broadcast_in_dim3A_465 = vector.broadcast %jit3A_463 : i32 to vector<64x4096xi32>
    %select_n3A_466 = arith.select %and3A_461, %broadcast_in_dim3A_464, %broadcast_in_dim3A_465 : vector<64x4096xi1>, vector<64x4096xi32>
    %or3A_467 = arith.ori %or3A_457, %select_n3A_466 : vector<64x4096xi32>
    %convert_element_type3A_468 = arith.truncf %concatenate3A_393 : vector<64x4096xf32> to vector<64x4096xbf16>
    %convert_element_type3A_469 = arith.extf %convert_element_type3A_468 : vector<64x4096xbf16> to vector<64x4096xf32>
    %sub3A_470 = arith.subf %convert_element_type3A_469, %select_n3A_381 : vector<64x4096xf32>
    %abs3A_471 = math.absf %sub3A_470 : vector<64x4096xf32>
    %lt3A_472 = arith.constant 0.00999999977 : f32
    %lt3A_473 = vector.broadcast %lt3A_472 : f32 to vector<64x4096xf32>
    %lt3A_474 = arith.cmpf olt, %abs3A_471, %lt3A_473 : vector<64x4096xf32>
    %and3A_475 = arith.andi %and3A_374, %lt3A_474 : vector<64x4096xi1>
    %jit3A_476 = arith.constant 4 : i32
    %jit3A_477 = arith.constant 0 : i32
    %broadcast_in_dim3A_478 = vector.broadcast %jit3A_476 : i32 to vector<64x4096xi32>
    %broadcast_in_dim3A_479 = vector.broadcast %jit3A_477 : i32 to vector<64x4096xi32>
    %select_n3A_480 = arith.select %and3A_475, %broadcast_in_dim3A_478, %broadcast_in_dim3A_479 : vector<64x4096xi1>, vector<64x4096xi32>
    %or3A_481 = arith.ori %or3A_467, %select_n3A_480 : vector<64x4096xi32>
    %gt3A_482 = arith.constant 0.000000e+00 : f32
    %gt3A_483 = vector.broadcast %gt3A_482 : f32 to vector<64x4096xf32>
    %gt3A_484 = arith.cmpf ogt, %convert_element_type3A_469, %gt3A_483 : vector<64x4096xf32>
    %and3A_485 = arith.andi %and3A_374, %gt3A_484 : vector<64x4096xi1>
    %jit3A_486 = arith.constant 256 : i32
    %jit3A_487 = arith.constant 0 : i32
    %broadcast_in_dim3A_488 = vector.broadcast %jit3A_486 : i32 to vector<64x4096xi32>
    %broadcast_in_dim3A_489 = vector.broadcast %jit3A_487 : i32 to vector<64x4096xi32>
    %select_n3A_490 = arith.select %and3A_485, %broadcast_in_dim3A_488, %broadcast_in_dim3A_489 : vector<64x4096xi1>, vector<64x4096xi32>
    %or3A_491 = arith.ori %or3A_481, %select_n3A_490 : vector<64x4096xi32>
    %convert_element_type3A_492 = arith.truncf %concatenate3A_397 : vector<64x4096xf32> to vector<64x4096xbf16>
    %convert_element_type3A_493 = arith.extf %convert_element_type3A_492 : vector<64x4096xbf16> to vector<64x4096xf32>
    %sub3A_494 = arith.subf %convert_element_type3A_493, %select_n3A_381 : vector<64x4096xf32>
    %abs3A_495 = math.absf %sub3A_494 : vector<64x4096xf32>
    %lt3A_496 = arith.constant 0.00999999977 : f32
    %lt3A_497 = vector.broadcast %lt3A_496 : f32 to vector<64x4096xf32>
    %lt3A_498 = arith.cmpf olt, %abs3A_495, %lt3A_497 : vector<64x4096xf32>
    %and3A_499 = arith.andi %and3A_374, %lt3A_498 : vector<64x4096xi1>
    %jit3A_500 = arith.constant 8 : i32
    %jit3A_501 = arith.constant 0 : i32
    %broadcast_in_dim3A_502 = vector.broadcast %jit3A_500 : i32 to vector<64x4096xi32>
    %broadcast_in_dim3A_503 = vector.broadcast %jit3A_501 : i32 to vector<64x4096xi32>
    %select_n3A_504 = arith.select %and3A_499, %broadcast_in_dim3A_502, %broadcast_in_dim3A_503 : vector<64x4096xi1>, vector<64x4096xi32>
    %or3A_505 = arith.ori %or3A_491, %select_n3A_504 : vector<64x4096xi32>
    %gt3A_506 = arith.constant 0.000000e+00 : f32
    %gt3A_507 = vector.broadcast %gt3A_506 : f32 to vector<64x4096xf32>
    %gt3A_508 = arith.cmpf ogt, %convert_element_type3A_493, %gt3A_507 : vector<64x4096xf32>
    %and3A_509 = arith.andi %and3A_374, %gt3A_508 : vector<64x4096xi1>
    %jit3A_510 = arith.constant 512 : i32
    %jit3A_511 = arith.constant 0 : i32
    %broadcast_in_dim3A_512 = vector.broadcast %jit3A_510 : i32 to vector<64x4096xi32>
    %broadcast_in_dim3A_513 = vector.broadcast %jit3A_511 : i32 to vector<64x4096xi32>
    %select_n3A_514 = arith.select %and3A_509, %broadcast_in_dim3A_512, %broadcast_in_dim3A_513 : vector<64x4096xi1>, vector<64x4096xi32>
    %or3A_515 = arith.ori %or3A_505, %select_n3A_514 : vector<64x4096xi32>
    %convert_element_type3A_516 = arith.truncf %select_n3A_407 : vector<64x4096xf32> to vector<64x4096xbf16>
    %convert_element_type3A_517 = arith.extf %convert_element_type3A_516 : vector<64x4096xbf16> to vector<64x4096xf32>
    %sub3A_518 = arith.subf %convert_element_type3A_517, %select_n3A_381 : vector<64x4096xf32>
    %abs3A_519 = math.absf %sub3A_518 : vector<64x4096xf32>
    %lt3A_520 = arith.constant 0.00999999977 : f32
    %lt3A_521 = vector.broadcast %lt3A_520 : f32 to vector<64x4096xf32>
    %lt3A_522 = arith.cmpf olt, %abs3A_519, %lt3A_521 : vector<64x4096xf32>
    %and3A_523 = arith.andi %and3A_374, %lt3A_522 : vector<64x4096xi1>
    %jit3A_524 = arith.constant 16 : i32
    %jit3A_525 = arith.constant 0 : i32
    %broadcast_in_dim3A_526 = vector.broadcast %jit3A_524 : i32 to vector<64x4096xi32>
    %broadcast_in_dim3A_527 = vector.broadcast %jit3A_525 : i32 to vector<64x4096xi32>
    %select_n3A_528 = arith.select %and3A_523, %broadcast_in_dim3A_526, %broadcast_in_dim3A_527 : vector<64x4096xi1>, vector<64x4096xi32>
    %or3A_529 = arith.ori %or3A_515, %select_n3A_528 : vector<64x4096xi32>
    %gt3A_530 = arith.constant 0.000000e+00 : f32
    %gt3A_531 = vector.broadcast %gt3A_530 : f32 to vector<64x4096xf32>
    %gt3A_532 = arith.cmpf ogt, %convert_element_type3A_517, %gt3A_531 : vector<64x4096xf32>
    %and3A_533 = arith.andi %and3A_374, %gt3A_532 : vector<64x4096xi1>
    %jit3A_534 = arith.constant 1024 : i32
    %jit3A_535 = arith.constant 0 : i32
    %broadcast_in_dim3A_536 = vector.broadcast %jit3A_534 : i32 to vector<64x4096xi32>
    %broadcast_in_dim3A_537 = vector.broadcast %jit3A_535 : i32 to vector<64x4096xi32>
    %select_n3A_538 = arith.select %and3A_533, %broadcast_in_dim3A_536, %broadcast_in_dim3A_537 : vector<64x4096xi1>, vector<64x4096xi32>
    %or3A_539 = arith.ori %or3A_529, %select_n3A_538 : vector<64x4096xi32>
    %convert_element_type3A_540 = arith.truncf %select_n3A_417 : vector<64x4096xf32> to vector<64x4096xbf16>
    %convert_element_type3A_541 = arith.extf %convert_element_type3A_540 : vector<64x4096xbf16> to vector<64x4096xf32>
    %sub3A_542 = arith.subf %convert_element_type3A_541, %select_n3A_381 : vector<64x4096xf32>
    %abs3A_543 = math.absf %sub3A_542 : vector<64x4096xf32>
    %lt3A_544 = arith.constant 0.00999999977 : f32
    %lt3A_545 = vector.broadcast %lt3A_544 : f32 to vector<64x4096xf32>
    %lt3A_546 = arith.cmpf olt, %abs3A_543, %lt3A_545 : vector<64x4096xf32>
    %and3A_547 = arith.andi %and3A_374, %lt3A_546 : vector<64x4096xi1>
    %jit3A_548 = arith.constant 32 : i32
    %jit3A_549 = arith.constant 0 : i32
    %broadcast_in_dim3A_550 = vector.broadcast %jit3A_548 : i32 to vector<64x4096xi32>
    %broadcast_in_dim3A_551 = vector.broadcast %jit3A_549 : i32 to vector<64x4096xi32>
    %select_n3A_552 = arith.select %and3A_547, %broadcast_in_dim3A_550, %broadcast_in_dim3A_551 : vector<64x4096xi1>, vector<64x4096xi32>
    %or3A_553 = arith.ori %or3A_539, %select_n3A_552 : vector<64x4096xi32>
    %gt3A_554 = arith.constant 0.000000e+00 : f32
    %gt3A_555 = vector.broadcast %gt3A_554 : f32 to vector<64x4096xf32>
    %gt3A_556 = arith.cmpf ogt, %convert_element_type3A_541, %gt3A_555 : vector<64x4096xf32>
    %and3A_557 = arith.andi %and3A_374, %gt3A_556 : vector<64x4096xi1>
    %jit3A_558 = arith.constant 2048 : i32
    %jit3A_559 = arith.constant 0 : i32
    %broadcast_in_dim3A_560 = vector.broadcast %jit3A_558 : i32 to vector<64x4096xi32>
    %broadcast_in_dim3A_561 = vector.broadcast %jit3A_559 : i32 to vector<64x4096xi32>
    %select_n3A_562 = arith.select %and3A_557, %broadcast_in_dim3A_560, %broadcast_in_dim3A_561 : vector<64x4096xi1>, vector<64x4096xi32>
    %or3A_563 = arith.ori %or3A_553, %select_n3A_562 : vector<64x4096xi32>
    %swap3A_564 = arith.constant 0 : index
    %swap3A_565 = arith.constant 0 : index
    %swap3A_566 = vector.load %arg3[%swap3A_564, %swap3A_565] : memref<64x4096xi32, #tpu.memory_space<vmem>>, vector<64x4096xi32>
    tpu.vector_store %arg3[%swap3A_564, %swap3A_565], %or3A_563 {strides = array<i32>} : memref<64x4096xi32, #tpu.memory_space<vmem>>, vector<64x4096xi32>,
    %broadcast_in_dim3A_567 = arith.constant 0.000000e+00 : f32
    %broadcast_in_dim3A_568 = vector.broadcast %broadcast_in_dim3A_567 : f32 to vector<2x4096xf32>
    %slice3A_569 = vector.extract_strided_slice %add3A_278 {offsets = [2, 0], sizes = [62, 4096], strides = [1, 1]} : vector<64x4096xf32> to vector<62x4096xf32>
    %concatenate3A_570 = tpu.concatenate %slice3A_569, %broadcast_in_dim3A_568 in 0 : vector<62x4096xf32>, vector<2x4096xf32> -> vector<64x4096xf32>
    %add3A_571 = arith.addf %add3A_278, %concatenate3A_570 : vector<64x4096xf32>
    %broadcast_in_dim3A_572 = arith.constant 0.000000e+00 : f32
    %broadcast_in_dim3A_573 = vector.broadcast %broadcast_in_dim3A_572 : f32 to vector<64x128xf32>
    %slice3A_574 = vector.extract_strided_slice %add3A_571 {offsets = [0, 128], sizes = [64, 3968], strides = [1, 1]} : vector<64x4096xf32> to vector<64x3968xf32>
    %concatenate3A_575 = tpu.concatenate %slice3A_574, %broadcast_in_dim3A_573 in 1 : vector<64x3968xf32>, vector<64x128xf32> -> vector<64x4096xf32>
    %add3A_576 = arith.addf %add3A_571, %concatenate3A_575 : vector<64x4096xf32>
    %broadcast_in_dim3A_577 = arith.constant 0.000000e+00 : f32
    %broadcast_in_dim3A_578 = vector.broadcast %broadcast_in_dim3A_577 : f32 to vector<64x2xf32>
    %slice3A_579 = vector.extract_strided_slice %add3A_576 {offsets = [0, 2], sizes = [64, 4094], strides = [1, 1]} : vector<64x4096xf32> to vector<64x4094xf32>
    %concatenate3A_580 = tpu.concatenate %slice3A_579, %broadcast_in_dim3A_578 in 1 : vector<64x4094xf32>, vector<64x2xf32> -> vector<64x4096xf32>
    %add3A_581 = arith.addf %add3A_576, %concatenate3A_580 : vector<64x4096xf32>
    %broadcast_in_dim3A_582 = arith.constant 0.000000e+00 : f32
    %broadcast_in_dim3A_583 = vector.broadcast %broadcast_in_dim3A_582 : f32 to vector<2x4096xf32>
    %slice3A_584 = vector.extract_strided_slice %add3A_293 {offsets = [2, 0], sizes = [62, 4096], strides = [1, 1]} : vector<64x4096xf32> to vector<62x4096xf32>
    %concatenate3A_585 = tpu.concatenate %slice3A_584, %broadcast_in_dim3A_583 in 0 : vector<62x4096xf32>, vector<2x4096xf32> -> vector<64x4096xf32>
    %add3A_586 = arith.addf %add3A_293, %concatenate3A_585 : vector<64x4096xf32>
    %broadcast_in_dim3A_587 = arith.constant 0.000000e+00 : f32
    %broadcast_in_dim3A_588 = vector.broadcast %broadcast_in_dim3A_587 : f32 to vector<64x128xf32>
    %slice3A_589 = vector.extract_strided_slice %add3A_586 {offsets = [0, 128], sizes = [64, 3968], strides = [1, 1]} : vector<64x4096xf32> to vector<64x3968xf32>
    %concatenate3A_590 = tpu.concatenate %slice3A_589, %broadcast_in_dim3A_588 in 1 : vector<64x3968xf32>, vector<64x128xf32> -> vector<64x4096xf32>
    %add3A_591 = arith.addf %add3A_586, %concatenate3A_590 : vector<64x4096xf32>
    %broadcast_in_dim3A_592 = arith.constant 0.000000e+00 : f32
    %broadcast_in_dim3A_593 = vector.broadcast %broadcast_in_dim3A_592 : f32 to vector<64x2xf32>
    %slice3A_594 = vector.extract_strided_slice %add3A_591 {offsets = [0, 2], sizes = [64, 4094], strides = [1, 1]} : vector<64x4096xf32> to vector<64x4094xf32>
    %concatenate3A_595 = tpu.concatenate %slice3A_594, %broadcast_in_dim3A_593 in 1 : vector<64x4094xf32>, vector<64x2xf32> -> vector<64x4096xf32>
    %add3A_596 = arith.addf %add3A_591, %concatenate3A_595 : vector<64x4096xf32>
    %jit3A_597 = arith.constant 4 : i32
    %eq3A_598 = arith.constant 0 : i32
    %eq3A_599 = arith.cmpi eq, %jit3A_597, %eq3A_598 : i32
    %jit3A_600 = arith.constant 1 : i32
    %select_n3A_601 = arith.select %eq3A_599, %jit3A_600, %jit3A_597 : i32
    %rem3A_602 = vector.broadcast %select_n3A_601 : i32 to vector<64x4096xi32>
    %rem3A_603 = arith.remsi %iota3A, %rem3A_602 : vector<64x4096xi32>
    %ne3A_604 = arith.constant 0 : i32
    %ne3A_605 = vector.broadcast %ne3A_604 : i32 to vector<64x4096xi32>
    %ne3A_606 = arith.cmpi ne, %rem3A_603, %ne3A_605 : vector<64x4096xi32>
    %lt3A_607 = arith.constant 0 : i32
    %lt3A_608 = vector.broadcast %lt3A_607 : i32 to vector<64x4096xi32>
    %lt3A_609 = arith.cmpi slt, %rem3A_603, %lt3A_608 : vector<64x4096xi32>
    %lt3A_610 = arith.constant 0 : i32
    %lt3A_611 = arith.cmpi slt, %select_n3A_601, %lt3A_610 : i32
    %ne3A_612 = vector.broadcast %lt3A_611 : i1 to vector<64x4096xi1>
    %ne3A_613 = vector.broadcast %ne3A_612 : vector<64x4096xi1> to vector<64x4096xi1>
    %ne3A_614 = arith.xori %lt3A_609, %ne3A_613 : vector<64x4096xi1>
    %and3A_615 = arith.andi %ne3A_614, %ne3A_606 : vector<64x4096xi1>
    %add3A_616 = vector.broadcast %select_n3A_601 : i32 to vector<64x4096xi32>
    %add3A_617 = arith.addi %rem3A_603, %add3A_616 : vector<64x4096xi32>
    %select_n3A_618 = arith.select %and3A_615, %add3A_617, %rem3A_603 : vector<64x4096xi1>, vector<64x4096xi32>
    %eq3A_619 = arith.constant 0 : i32
    %eq3A_620 = vector.broadcast %eq3A_619 : i32 to vector<64x4096xi32>
    %eq3A_621 = arith.cmpi eq, %select_n3A_618, %eq3A_620 : vector<64x4096xi32>
    %jit3A_622 = arith.constant 4 : i32
    %eq3A_623 = arith.constant 0 : i32
    %eq3A_624 = arith.cmpi eq, %jit3A_622, %eq3A_623 : i32
    %jit3A_625 = arith.constant 1 : i32
    %select_n3A_626 = arith.select %eq3A_624, %jit3A_625, %jit3A_622 : i32
    %rem3A_627 = vector.broadcast %select_n3A_626 : i32 to vector<64x4096xi32>
    %rem3A_628 = arith.remsi %select_n3A, %rem3A_627 : vector<64x4096xi32>
    %ne3A_629 = arith.constant 0 : i32
    %ne3A_630 = vector.broadcast %ne3A_629 : i32 to vector<64x4096xi32>
    %ne3A_631 = arith.cmpi ne, %rem3A_628, %ne3A_630 : vector<64x4096xi32>
    %lt3A_632 = arith.constant 0 : i32
    %lt3A_633 = vector.broadcast %lt3A_632 : i32 to vector<64x4096xi32>
    %lt3A_634 = arith.cmpi slt, %rem3A_628, %lt3A_633 : vector<64x4096xi32>
    %lt3A_635 = arith.constant 0 : i32
    %lt3A_636 = arith.cmpi slt, %select_n3A_626, %lt3A_635 : i32
    %ne3A_637 = vector.broadcast %lt3A_636 : i1 to vector<64x4096xi1>
    %ne3A_638 = vector.broadcast %ne3A_637 : vector<64x4096xi1> to vector<64x4096xi1>
    %ne3A_639 = arith.xori %lt3A_634, %ne3A_638 : vector<64x4096xi1>
    %and3A_640 = arith.andi %ne3A_639, %ne3A_631 : vector<64x4096xi1>
    %add3A_641 = vector.broadcast %select_n3A_626 : i32 to vector<64x4096xi32>
    %add3A_642 = arith.addi %rem3A_628, %add3A_641 : vector<64x4096xi32>
    %select_n3A_643 = arith.select %and3A_640, %add3A_642, %rem3A_628 : vector<64x4096xi1>, vector<64x4096xi32>
    %eq3A_644 = arith.constant 0 : i32
    %eq3A_645 = vector.broadcast %eq3A_644 : i32 to vector<64x4096xi32>
    %eq3A_646 = arith.cmpi eq, %select_n3A_643, %eq3A_645 : vector<64x4096xi32>
    %and3A_647 = arith.andi %eq3A_621, %eq3A_646 : vector<64x4096xi1>
    %jit3A_648 = arith.constant 4 : i32
    %eq3A_649 = arith.constant 0 : i32
    %eq3A_650 = arith.cmpi eq, %jit3A_648, %eq3A_649 : i32
    %jit3A_651 = arith.constant 1 : i32
    %select_n3A_652 = arith.select %eq3A_650, %jit3A_651, %jit3A_648 : i32
    %rem3A_653 = vector.broadcast %select_n3A_652 : i32 to vector<64x4096xi32>
    %rem3A_654 = arith.remsi %select_n3A_63, %rem3A_653 : vector<64x4096xi32>
    %ne3A_655 = arith.constant 0 : i32
    %ne3A_656 = vector.broadcast %ne3A_655 : i32 to vector<64x4096xi32>
    %ne3A_657 = arith.cmpi ne, %rem3A_654, %ne3A_656 : vector<64x4096xi32>
    %lt3A_658 = arith.constant 0 : i32
    %lt3A_659 = vector.broadcast %lt3A_658 : i32 to vector<64x4096xi32>
    %lt3A_660 = arith.cmpi slt, %rem3A_654, %lt3A_659 : vector<64x4096xi32>
    %lt3A_661 = arith.constant 0 : i32
    %lt3A_662 = arith.cmpi slt, %select_n3A_652, %lt3A_661 : i32
    %ne3A_663 = vector.broadcast %lt3A_662 : i1 to vector<64x4096xi1>
    %ne3A_664 = vector.broadcast %ne3A_663 : vector<64x4096xi1> to vector<64x4096xi1>
    %ne3A_665 = arith.xori %lt3A_660, %ne3A_664 : vector<64x4096xi1>
    %and3A_666 = arith.andi %ne3A_665, %ne3A_657 : vector<64x4096xi1>
    %add3A_667 = vector.broadcast %select_n3A_652 : i32 to vector<64x4096xi32>
    %add3A_668 = arith.addi %rem3A_654, %add3A_667 : vector<64x4096xi32>
    %select_n3A_669 = arith.select %and3A_666, %add3A_668, %rem3A_654 : vector<64x4096xi1>, vector<64x4096xi32>
    %eq3A_670 = arith.constant 0 : i32
    %eq3A_671 = vector.broadcast %eq3A_670 : i32 to vector<64x4096xi32>
    %eq3A_672 = arith.cmpi eq, %select_n3A_669, %eq3A_671 : vector<64x4096xi32>
    %and3A_673 = arith.andi %and3A_647, %eq3A_672 : vector<64x4096xi1>
    %gt3A_674 = arith.constant 0.000000e+00 : f32
    %gt3A_675 = vector.broadcast %gt3A_674 : f32 to vector<64x4096xf32>
    %gt3A_676 = arith.cmpf ogt, %add3A_596, %gt3A_675 : vector<64x4096xf32>
    %and3A_677 = arith.andi %and3A_673, %gt3A_676 : vector<64x4096xi1>
    %max3A_678 = arith.constant 9.99999996E-13 : f32
    %max3A_679 = vector.broadcast %max3A_678 : f32 to vector<64x4096xf32>
    %max3A_680 = arith.maximumf %add3A_596, %max3A_679 : vector<64x4096xf32>
    %div3A_681 = arith.divf %add3A_581, %max3A_680 : vector<64x4096xf32>
    %jit3A_682 = arith.constant 0.000000e+00 : f32
    %broadcast_in_dim3A_683 = vector.broadcast %jit3A_682 : f32 to vector<64x4096xf32>
    %select_n3A_684 = arith.select %and3A_677, %div3A_681, %broadcast_in_dim3A_683 : vector<64x4096xi1>, vector<64x4096xf32>
    %broadcast_in_dim3A_685 = arith.constant 0.000000e+00 : f32
    %broadcast_in_dim3A_686 = vector.broadcast %broadcast_in_dim3A_685 : f32 to vector<4x4096xf32>
    %slice3A_687 = vector.extract_strided_slice %select_n3A_684 {offsets = [0, 0], sizes = [60, 4096], strides = [1, 1]} : vector<64x4096xf32> to vector<60x4096xf32>
    %concatenate3A_688 = tpu.concatenate %broadcast_in_dim3A_686, %slice3A_687 in 0 : vector<4x4096xf32>, vector<60x4096xf32> -> vector<64x4096xf32>
    %broadcast_in_dim3A_689 = arith.constant 0.000000e+00 : f32
    %broadcast_in_dim3A_690 = vector.broadcast %broadcast_in_dim3A_689 : f32 to vector<4x4096xf32>
    %slice3A_691 = vector.extract_strided_slice %select_n3A_684 {offsets = [4, 0], sizes = [60, 4096], strides = [1, 1]} : vector<64x4096xf32> to vector<60x4096xf32>
    %concatenate3A_692 = tpu.concatenate %slice3A_691, %broadcast_in_dim3A_690 in 0 : vector<60x4096xf32>, vector<4x4096xf32> -> vector<64x4096xf32>
    %broadcast_in_dim3A_693 = arith.constant 0.000000e+00 : f32
    %broadcast_in_dim3A_694 = vector.broadcast %broadcast_in_dim3A_693 : f32 to vector<64x256xf32>
    %slice3A_695 = vector.extract_strided_slice %select_n3A_684 {offsets = [0, 0], sizes = [64, 3840], strides = [1, 1]} : vector<64x4096xf32> to vector<64x3840xf32>
    %concatenate3A_696 = tpu.concatenate %broadcast_in_dim3A_694, %slice3A_695 in 1 : vector<64x256xf32>, vector<64x3840xf32> -> vector<64x4096xf32>
    %broadcast_in_dim3A_697 = arith.constant 0.000000e+00 : f32
    %broadcast_in_dim3A_698 = vector.broadcast %broadcast_in_dim3A_697 : f32 to vector<64x256xf32>
    %slice3A_699 = vector.extract_strided_slice %select_n3A_684 {offsets = [0, 256], sizes = [64, 3840], strides = [1, 1]} : vector<64x4096xf32> to vector<64x3840xf32>
    %concatenate3A_700 = tpu.concatenate %slice3A_699, %broadcast_in_dim3A_698 in 1 : vector<64x3840xf32>, vector<64x256xf32> -> vector<64x4096xf32>
    %broadcast_in_dim3A_701 = arith.constant 0.000000e+00 : f32
    %broadcast_in_dim3A_702 = vector.broadcast %broadcast_in_dim3A_701 : f32 to vector<64x4xf32>
    %slice3A_703 = vector.extract_strided_slice %select_n3A_684 {offsets = [0, 0], sizes = [64, 4092], strides = [1, 1]} : vector<64x4096xf32> to vector<64x4092xf32>
    %concatenate3A_704 = tpu.concatenate %broadcast_in_dim3A_702, %slice3A_703 in 1 : vector<64x4xf32>, vector<64x4092xf32> -> vector<64x4096xf32>
    %ge3A_705 = arith.constant 4 : i32
    %ge3A_706 = vector.broadcast %ge3A_705 : i32 to vector<64x4096xi32>
    %ge3A_707 = arith.cmpi sge, %select_n3A_63, %ge3A_706 : vector<64x4096xi32>
    %jit3A_708 = arith.constant 0.000000e+00 : f32
    %broadcast_in_dim3A_709 = vector.broadcast %jit3A_708 : f32 to vector<64x4096xf32>
    %select_n3A_710 = arith.select %ge3A_707, %concatenate3A_704, %broadcast_in_dim3A_709 : vector<64x4096xi1>, vector<64x4096xf32>
    %broadcast_in_dim3A_711 = arith.constant 0.000000e+00 : f32
    %broadcast_in_dim3A_712 = vector.broadcast %broadcast_in_dim3A_711 : f32 to vector<64x4xf32>
    %slice3A_713 = vector.extract_strided_slice %select_n3A_684 {offsets = [0, 4], sizes = [64, 4092], strides = [1, 1]} : vector<64x4096xf32> to vector<64x4092xf32>
    %concatenate3A_714 = tpu.concatenate %slice3A_713, %broadcast_in_dim3A_712 in 1 : vector<64x4092xf32>, vector<64x4xf32> -> vector<64x4096xf32>
    %lt3A_715 = arith.constant 60 : i32
    %lt3A_716 = vector.broadcast %lt3A_715 : i32 to vector<64x4096xi32>
    %lt3A_717 = arith.cmpi slt, %select_n3A_63, %lt3A_716 : vector<64x4096xi32>
    %jit3A_718 = arith.constant 0.000000e+00 : f32
    %broadcast_in_dim3A_719 = vector.broadcast %jit3A_718 : f32 to vector<64x4096xf32>
    %select_n3A_720 = arith.select %lt3A_717, %concatenate3A_714, %broadcast_in_dim3A_719 : vector<64x4096xi1>, vector<64x4096xf32>
    %broadcast_in_dim3A_721 = arith.constant 0 : i32
    %broadcast_in_dim3A_722 = vector.broadcast %broadcast_in_dim3A_721 : i32 to vector<64x4096xi32>
    %convert_element_type3A_723 = arith.truncf %concatenate3A_688 : vector<64x4096xf32> to vector<64x4096xbf16>
    %convert_element_type3A_724 = arith.extf %convert_element_type3A_723 : vector<64x4096xbf16> to vector<64x4096xf32>
    %sub3A_725 = arith.subf %convert_element_type3A_724, %select_n3A_684 : vector<64x4096xf32>
    %abs3A_726 = math.absf %sub3A_725 : vector<64x4096xf32>
    %lt3A_727 = arith.constant 0.00999999977 : f32
    %lt3A_728 = vector.broadcast %lt3A_727 : f32 to vector<64x4096xf32>
    %lt3A_729 = arith.cmpf olt, %abs3A_726, %lt3A_728 : vector<64x4096xf32>
    %and3A_730 = arith.andi %and3A_677, %lt3A_729 : vector<64x4096xi1>
    %jit3A_731 = arith.constant 1 : i32
    %jit3A_732 = arith.constant 0 : i32
    %broadcast_in_dim3A_733 = vector.broadcast %jit3A_731 : i32 to vector<64x4096xi32>
    %broadcast_in_dim3A_734 = vector.broadcast %jit3A_732 : i32 to vector<64x4096xi32>
    %select_n3A_735 = arith.select %and3A_730, %broadcast_in_dim3A_733, %broadcast_in_dim3A_734 : vector<64x4096xi1>, vector<64x4096xi32>
    %or3A_736 = arith.ori %broadcast_in_dim3A_722, %select_n3A_735 : vector<64x4096xi32>
    %gt3A_737 = arith.constant 0.000000e+00 : f32
    %gt3A_738 = vector.broadcast %gt3A_737 : f32 to vector<64x4096xf32>
    %gt3A_739 = arith.cmpf ogt, %convert_element_type3A_724, %gt3A_738 : vector<64x4096xf32>
    %and3A_740 = arith.andi %and3A_677, %gt3A_739 : vector<64x4096xi1>
    %jit3A_741 = arith.constant 64 : i32
    %jit3A_742 = arith.constant 0 : i32
    %broadcast_in_dim3A_743 = vector.broadcast %jit3A_741 : i32 to vector<64x4096xi32>
    %broadcast_in_dim3A_744 = vector.broadcast %jit3A_742 : i32 to vector<64x4096xi32>
    %select_n3A_745 = arith.select %and3A_740, %broadcast_in_dim3A_743, %broadcast_in_dim3A_744 : vector<64x4096xi1>, vector<64x4096xi32>
    %or3A_746 = arith.ori %or3A_736, %select_n3A_745 : vector<64x4096xi32>
    %convert_element_type3A_747 = arith.truncf %concatenate3A_692 : vector<64x4096xf32> to vector<64x4096xbf16>
    %convert_element_type3A_748 = arith.extf %convert_element_type3A_747 : vector<64x4096xbf16> to vector<64x4096xf32>
    %sub3A_749 = arith.subf %convert_element_type3A_748, %select_n3A_684 : vector<64x4096xf32>
    %abs3A_750 = math.absf %sub3A_749 : vector<64x4096xf32>
    %lt3A_751 = arith.constant 0.00999999977 : f32
    %lt3A_752 = vector.broadcast %lt3A_751 : f32 to vector<64x4096xf32>
    %lt3A_753 = arith.cmpf olt, %abs3A_750, %lt3A_752 : vector<64x4096xf32>
    %and3A_754 = arith.andi %and3A_677, %lt3A_753 : vector<64x4096xi1>
    %jit3A_755 = arith.constant 2 : i32
    %jit3A_756 = arith.constant 0 : i32
    %broadcast_in_dim3A_757 = vector.broadcast %jit3A_755 : i32 to vector<64x4096xi32>
    %broadcast_in_dim3A_758 = vector.broadcast %jit3A_756 : i32 to vector<64x4096xi32>
    %select_n3A_759 = arith.select %and3A_754, %broadcast_in_dim3A_757, %broadcast_in_dim3A_758 : vector<64x4096xi1>, vector<64x4096xi32>
    %or3A_760 = arith.ori %or3A_746, %select_n3A_759 : vector<64x4096xi32>
    %gt3A_761 = arith.constant 0.000000e+00 : f32
    %gt3A_762 = vector.broadcast %gt3A_761 : f32 to vector<64x4096xf32>
    %gt3A_763 = arith.cmpf ogt, %convert_element_type3A_748, %gt3A_762 : vector<64x4096xf32>
    %and3A_764 = arith.andi %and3A_677, %gt3A_763 : vector<64x4096xi1>
    %jit3A_765 = arith.constant 128 : i32
    %jit3A_766 = arith.constant 0 : i32
    %broadcast_in_dim3A_767 = vector.broadcast %jit3A_765 : i32 to vector<64x4096xi32>
    %broadcast_in_dim3A_768 = vector.broadcast %jit3A_766 : i32 to vector<64x4096xi32>
    %select_n3A_769 = arith.select %and3A_764, %broadcast_in_dim3A_767, %broadcast_in_dim3A_768 : vector<64x4096xi1>, vector<64x4096xi32>
    %or3A_770 = arith.ori %or3A_760, %select_n3A_769 : vector<64x4096xi32>
    %convert_element_type3A_771 = arith.truncf %concatenate3A_696 : vector<64x4096xf32> to vector<64x4096xbf16>
    %convert_element_type3A_772 = arith.extf %convert_element_type3A_771 : vector<64x4096xbf16> to vector<64x4096xf32>
    %sub3A_773 = arith.subf %convert_element_type3A_772, %select_n3A_684 : vector<64x4096xf32>
    %abs3A_774 = math.absf %sub3A_773 : vector<64x4096xf32>
    %lt3A_775 = arith.constant 0.00999999977 : f32
    %lt3A_776 = vector.broadcast %lt3A_775 : f32 to vector<64x4096xf32>
    %lt3A_777 = arith.cmpf olt, %abs3A_774, %lt3A_776 : vector<64x4096xf32>
    %and3A_778 = arith.andi %and3A_677, %lt3A_777 : vector<64x4096xi1>
    %jit3A_779 = arith.constant 4 : i32
    %jit3A_780 = arith.constant 0 : i32
    %broadcast_in_dim3A_781 = vector.broadcast %jit3A_779 : i32 to vector<64x4096xi32>
    %broadcast_in_dim3A_782 = vector.broadcast %jit3A_780 : i32 to vector<64x4096xi32>
    %select_n3A_783 = arith.select %and3A_778, %broadcast_in_dim3A_781, %broadcast_in_dim3A_782 : vector<64x4096xi1>, vector<64x4096xi32>
    %or3A_784 = arith.ori %or3A_770, %select_n3A_783 : vector<64x4096xi32>
    %gt3A_785 = arith.constant 0.000000e+00 : f32
    %gt3A_786 = vector.broadcast %gt3A_785 : f32 to vector<64x4096xf32>
    %gt3A_787 = arith.cmpf ogt, %convert_element_type3A_772, %gt3A_786 : vector<64x4096xf32>
    %and3A_788 = arith.andi %and3A_677, %gt3A_787 : vector<64x4096xi1>
    %jit3A_789 = arith.constant 256 : i32
    %jit3A_790 = arith.constant 0 : i32
    %broadcast_in_dim3A_791 = vector.broadcast %jit3A_789 : i32 to vector<64x4096xi32>
    %broadcast_in_dim3A_792 = vector.broadcast %jit3A_790 : i32 to vector<64x4096xi32>
    %select_n3A_793 = arith.select %and3A_788, %broadcast_in_dim3A_791, %broadcast_in_dim3A_792 : vector<64x4096xi1>, vector<64x4096xi32>
    %or3A_794 = arith.ori %or3A_784, %select_n3A_793 : vector<64x4096xi32>
    %convert_element_type3A_795 = arith.truncf %concatenate3A_700 : vector<64x4096xf32> to vector<64x4096xbf16>
    %convert_element_type3A_796 = arith.extf %convert_element_type3A_795 : vector<64x4096xbf16> to vector<64x4096xf32>
    %sub3A_797 = arith.subf %convert_element_type3A_796, %select_n3A_684 : vector<64x4096xf32>
    %abs3A_798 = math.absf %sub3A_797 : vector<64x4096xf32>
    %lt3A_799 = arith.constant 0.00999999977 : f32
    %lt3A_800 = vector.broadcast %lt3A_799 : f32 to vector<64x4096xf32>
    %lt3A_801 = arith.cmpf olt, %abs3A_798, %lt3A_800 : vector<64x4096xf32>
    %and3A_802 = arith.andi %and3A_677, %lt3A_801 : vector<64x4096xi1>
    %jit3A_803 = arith.constant 8 : i32
    %jit3A_804 = arith.constant 0 : i32
    %broadcast_in_dim3A_805 = vector.broadcast %jit3A_803 : i32 to vector<64x4096xi32>
    %broadcast_in_dim3A_806 = vector.broadcast %jit3A_804 : i32 to vector<64x4096xi32>
    %select_n3A_807 = arith.select %and3A_802, %broadcast_in_dim3A_805, %broadcast_in_dim3A_806 : vector<64x4096xi1>, vector<64x4096xi32>
    %or3A_808 = arith.ori %or3A_794, %select_n3A_807 : vector<64x4096xi32>
    %gt3A_809 = arith.constant 0.000000e+00 : f32
    %gt3A_810 = vector.broadcast %gt3A_809 : f32 to vector<64x4096xf32>
    %gt3A_811 = arith.cmpf ogt, %convert_element_type3A_796, %gt3A_810 : vector<64x4096xf32>
    %and3A_812 = arith.andi %and3A_677, %gt3A_811 : vector<64x4096xi1>
    %jit3A_813 = arith.constant 512 : i32
    %jit3A_814 = arith.constant 0 : i32
    %broadcast_in_dim3A_815 = vector.broadcast %jit3A_813 : i32 to vector<64x4096xi32>
    %broadcast_in_dim3A_816 = vector.broadcast %jit3A_814 : i32 to vector<64x4096xi32>
    %select_n3A_817 = arith.select %and3A_812, %broadcast_in_dim3A_815, %broadcast_in_dim3A_816 : vector<64x4096xi1>, vector<64x4096xi32>
    %or3A_818 = arith.ori %or3A_808, %select_n3A_817 : vector<64x4096xi32>
    %convert_element_type3A_819 = arith.truncf %select_n3A_710 : vector<64x4096xf32> to vector<64x4096xbf16>
    %convert_element_type3A_820 = arith.extf %convert_element_type3A_819 : vector<64x4096xbf16> to vector<64x4096xf32>
    %sub3A_821 = arith.subf %convert_element_type3A_820, %select_n3A_684 : vector<64x4096xf32>
    %abs3A_822 = math.absf %sub3A_821 : vector<64x4096xf32>
    %lt3A_823 = arith.constant 0.00999999977 : f32
    %lt3A_824 = vector.broadcast %lt3A_823 : f32 to vector<64x4096xf32>
    %lt3A_825 = arith.cmpf olt, %abs3A_822, %lt3A_824 : vector<64x4096xf32>
    %and3A_826 = arith.andi %and3A_677, %lt3A_825 : vector<64x4096xi1>
    %jit3A_827 = arith.constant 16 : i32
    %jit3A_828 = arith.constant 0 : i32
    %broadcast_in_dim3A_829 = vector.broadcast %jit3A_827 : i32 to vector<64x4096xi32>
    %broadcast_in_dim3A_830 = vector.broadcast %jit3A_828 : i32 to vector<64x4096xi32>
    %select_n3A_831 = arith.select %and3A_826, %broadcast_in_dim3A_829, %broadcast_in_dim3A_830 : vector<64x4096xi1>, vector<64x4096xi32>
    %or3A_832 = arith.ori %or3A_818, %select_n3A_831 : vector<64x4096xi32>
    %gt3A_833 = arith.constant 0.000000e+00 : f32
    %gt3A_834 = vector.broadcast %gt3A_833 : f32 to vector<64x4096xf32>
    %gt3A_835 = arith.cmpf ogt, %convert_element_type3A_820, %gt3A_834 : vector<64x4096xf32>
    %and3A_836 = arith.andi %and3A_677, %gt3A_835 : vector<64x4096xi1>
    %jit3A_837 = arith.constant 1024 : i32
    %jit3A_838 = arith.constant 0 : i32
    %broadcast_in_dim3A_839 = vector.broadcast %jit3A_837 : i32 to vector<64x4096xi32>
    %broadcast_in_dim3A_840 = vector.broadcast %jit3A_838 : i32 to vector<64x4096xi32>
    %select_n3A_841 = arith.select %and3A_836, %broadcast_in_dim3A_839, %broadcast_in_dim3A_840 : vector<64x4096xi1>, vector<64x4096xi32>
    %or3A_842 = arith.ori %or3A_832, %select_n3A_841 : vector<64x4096xi32>
    %convert_element_type3A_843 = arith.truncf %select_n3A_720 : vector<64x4096xf32> to vector<64x4096xbf16>
    %convert_element_type3A_844 = arith.extf %convert_element_type3A_843 : vector<64x4096xbf16> to vector<64x4096xf32>
    %sub3A_845 = arith.subf %convert_element_type3A_844, %select_n3A_684 : vector<64x4096xf32>
    %abs3A_846 = math.absf %sub3A_845 : vector<64x4096xf32>
    %lt3A_847 = arith.constant 0.00999999977 : f32
    %lt3A_848 = vector.broadcast %lt3A_847 : f32 to vector<64x4096xf32>
    %lt3A_849 = arith.cmpf olt, %abs3A_846, %lt3A_848 : vector<64x4096xf32>
    %and3A_850 = arith.andi %and3A_677, %lt3A_849 : vector<64x4096xi1>
    %jit3A_851 = arith.constant 32 : i32
    %jit3A_852 = arith.constant 0 : i32
    %broadcast_in_dim3A_853 = vector.broadcast %jit3A_851 : i32 to vector<64x4096xi32>
    %broadcast_in_dim3A_854 = vector.broadcast %jit3A_852 : i32 to vector<64x4096xi32>
    %select_n3A_855 = arith.select %and3A_850, %broadcast_in_dim3A_853, %broadcast_in_dim3A_854 : vector<64x4096xi1>, vector<64x4096xi32>
    %or3A_856 = arith.ori %or3A_842, %select_n3A_855 : vector<64x4096xi32>
    %gt3A_857 = arith.constant 0.000000e+00 : f32
    %gt3A_858 = vector.broadcast %gt3A_857 : f32 to vector<64x4096xf32>
    %gt3A_859 = arith.cmpf ogt, %convert_element_type3A_844, %gt3A_858 : vector<64x4096xf32>
    %and3A_860 = arith.andi %and3A_677, %gt3A_859 : vector<64x4096xi1>
    %jit3A_861 = arith.constant 2048 : i32
    %jit3A_862 = arith.constant 0 : i32
    %broadcast_in_dim3A_863 = vector.broadcast %jit3A_861 : i32 to vector<64x4096xi32>
    %broadcast_in_dim3A_864 = vector.broadcast %jit3A_862 : i32 to vector<64x4096xi32>
    %select_n3A_865 = arith.select %and3A_860, %broadcast_in_dim3A_863, %broadcast_in_dim3A_864 : vector<64x4096xi1>, vector<64x4096xi32>
    %or3A_866 = arith.ori %or3A_856, %select_n3A_865 : vector<64x4096xi32>
    %swap3A_867 = arith.constant 0 : index
    %swap3A_868 = arith.constant 0 : index
    %swap3A_869 = vector.load %arg4[%swap3A_867, %swap3A_868] : memref<64x4096xi32, #tpu.memory_space<vmem>>, vector<64x4096xi32>
    tpu.vector_store %arg4[%swap3A_867, %swap3A_868], %or3A_866 {strides = array<i32>} : memref<64x4096xi32, #tpu.memory_space<vmem>>, vector<64x4096xi32>,
    %broadcast_in_dim3A_870 = arith.constant 0.000000e+00 : f32
    %broadcast_in_dim3A_871 = vector.broadcast %broadcast_in_dim3A_870 : f32 to vector<4x4096xf32>
    %slice3A_872 = vector.extract_strided_slice %add3A_581 {offsets = [4, 0], sizes = [60, 4096], strides = [1, 1]} : vector<64x4096xf32> to vector<60x4096xf32>
    %concatenate3A_873 = tpu.concatenate %slice3A_872, %broadcast_in_dim3A_871 in 0 : vector<60x4096xf32>, vector<4x4096xf32> -> vector<64x4096xf32>
    %add3A_874 = arith.addf %add3A_581, %concatenate3A_873 : vector<64x4096xf32>
    %broadcast_in_dim3A_875 = arith.constant 0.000000e+00 : f32
    %broadcast_in_dim3A_876 = vector.broadcast %broadcast_in_dim3A_875 : f32 to vector<64x256xf32>
    %slice3A_877 = vector.extract_strided_slice %add3A_874 {offsets = [0, 256], sizes = [64, 3840], strides = [1, 1]} : vector<64x4096xf32> to vector<64x3840xf32>
    %concatenate3A_878 = tpu.concatenate %slice3A_877, %broadcast_in_dim3A_876 in 1 : vector<64x3840xf32>, vector<64x256xf32> -> vector<64x4096xf32>
    %add3A_879 = arith.addf %add3A_874, %concatenate3A_878 : vector<64x4096xf32>
    %broadcast_in_dim3A_880 = arith.constant 0.000000e+00 : f32
    %broadcast_in_dim3A_881 = vector.broadcast %broadcast_in_dim3A_880 : f32 to vector<64x4xf32>
    %slice3A_882 = vector.extract_strided_slice %add3A_879 {offsets = [0, 4], sizes = [64, 4092], strides = [1, 1]} : vector<64x4096xf32> to vector<64x4092xf32>
    %concatenate3A_883 = tpu.concatenate %slice3A_882, %broadcast_in_dim3A_881 in 1 : vector<64x4092xf32>, vector<64x4xf32> -> vector<64x4096xf32>
    %add3A_884 = arith.addf %add3A_879, %concatenate3A_883 : vector<64x4096xf32>
    %broadcast_in_dim3A_885 = arith.constant 0.000000e+00 : f32
    %broadcast_in_dim3A_886 = vector.broadcast %broadcast_in_dim3A_885 : f32 to vector<4x4096xf32>
    %slice3A_887 = vector.extract_strided_slice %add3A_596 {offsets = [4, 0], sizes = [60, 4096], strides = [1, 1]} : vector<64x4096xf32> to vector<60x4096xf32>
    %concatenate3A_888 = tpu.concatenate %slice3A_887, %broadcast_in_dim3A_886 in 0 : vector<60x4096xf32>, vector<4x4096xf32> -> vector<64x4096xf32>
    %add3A_889 = arith.addf %add3A_596, %concatenate3A_888 : vector<64x4096xf32>
    %broadcast_in_dim3A_890 = arith.constant 0.000000e+00 : f32
    %broadcast_in_dim3A_891 = vector.broadcast %broadcast_in_dim3A_890 : f32 to vector<64x256xf32>
    %slice3A_892 = vector.extract_strided_slice %add3A_889 {offsets = [0, 256], sizes = [64, 3840], strides = [1, 1]} : vector<64x4096xf32> to vector<64x3840xf32>
    %concatenate3A_893 = tpu.concatenate %slice3A_892, %broadcast_in_dim3A_891 in 1 : vector<64x3840xf32>, vector<64x256xf32> -> vector<64x4096xf32>
    %add3A_894 = arith.addf %add3A_889, %concatenate3A_893 : vector<64x4096xf32>
    %broadcast_in_dim3A_895 = arith.constant 0.000000e+00 : f32
    %broadcast_in_dim3A_896 = vector.broadcast %broadcast_in_dim3A_895 : f32 to vector<64x4xf32>
    %slice3A_897 = vector.extract_strided_slice %add3A_894 {offsets = [0, 4], sizes = [64, 4092], strides = [1, 1]} : vector<64x4096xf32> to vector<64x4092xf32>
    %concatenate3A_898 = tpu.concatenate %slice3A_897, %broadcast_in_dim3A_896 in 1 : vector<64x4092xf32>, vector<64x4xf32> -> vector<64x4096xf32>
    %add3A_899 = arith.addf %add3A_894, %concatenate3A_898 : vector<64x4096xf32>
    %jit3A_900 = arith.constant 8 : i32
    %eq3A_901 = arith.constant 0 : i32
    %eq3A_902 = arith.cmpi eq, %jit3A_900, %eq3A_901 : i32
    %jit3A_903 = arith.constant 1 : i32
    %select_n3A_904 = arith.select %eq3A_902, %jit3A_903, %jit3A_900 : i32
    %rem3A_905 = vector.broadcast %select_n3A_904 : i32 to vector<64x4096xi32>
    %rem3A_906 = arith.remsi %iota3A, %rem3A_905 : vector<64x4096xi32>
    %ne3A_907 = arith.constant 0 : i32
    %ne3A_908 = vector.broadcast %ne3A_907 : i32 to vector<64x4096xi32>
    %ne3A_909 = arith.cmpi ne, %rem3A_906, %ne3A_908 : vector<64x4096xi32>
    %lt3A_910 = arith.constant 0 : i32
    %lt3A_911 = vector.broadcast %lt3A_910 : i32 to vector<64x4096xi32>
    %lt3A_912 = arith.cmpi slt, %rem3A_906, %lt3A_911 : vector<64x4096xi32>
    %lt3A_913 = arith.constant 0 : i32
    %lt3A_914 = arith.cmpi slt, %select_n3A_904, %lt3A_913 : i32
    %ne3A_915 = vector.broadcast %lt3A_914 : i1 to vector<64x4096xi1>
    %ne3A_916 = vector.broadcast %ne3A_915 : vector<64x4096xi1> to vector<64x4096xi1>
    %ne3A_917 = arith.xori %lt3A_912, %ne3A_916 : vector<64x4096xi1>
    %and3A_918 = arith.andi %ne3A_917, %ne3A_909 : vector<64x4096xi1>
    %add3A_919 = vector.broadcast %select_n3A_904 : i32 to vector<64x4096xi32>
    %add3A_920 = arith.addi %rem3A_906, %add3A_919 : vector<64x4096xi32>
    %select_n3A_921 = arith.select %and3A_918, %add3A_920, %rem3A_906 : vector<64x4096xi1>, vector<64x4096xi32>
    %eq3A_922 = arith.constant 0 : i32
    %eq3A_923 = vector.broadcast %eq3A_922 : i32 to vector<64x4096xi32>
    %eq3A_924 = arith.cmpi eq, %select_n3A_921, %eq3A_923 : vector<64x4096xi32>
    %jit3A_925 = arith.constant 8 : i32
    %eq3A_926 = arith.constant 0 : i32
    %eq3A_927 = arith.cmpi eq, %jit3A_925, %eq3A_926 : i32
    %jit3A_928 = arith.constant 1 : i32
    %select_n3A_929 = arith.select %eq3A_927, %jit3A_928, %jit3A_925 : i32
    %rem3A_930 = vector.broadcast %select_n3A_929 : i32 to vector<64x4096xi32>
    %rem3A_931 = arith.remsi %select_n3A, %rem3A_930 : vector<64x4096xi32>
    %ne3A_932 = arith.constant 0 : i32
    %ne3A_933 = vector.broadcast %ne3A_932 : i32 to vector<64x4096xi32>
    %ne3A_934 = arith.cmpi ne, %rem3A_931, %ne3A_933 : vector<64x4096xi32>
    %lt3A_935 = arith.constant 0 : i32
    %lt3A_936 = vector.broadcast %lt3A_935 : i32 to vector<64x4096xi32>
    %lt3A_937 = arith.cmpi slt, %rem3A_931, %lt3A_936 : vector<64x4096xi32>
    %lt3A_938 = arith.constant 0 : i32
    %lt3A_939 = arith.cmpi slt, %select_n3A_929, %lt3A_938 : i32
    %ne3A_940 = vector.broadcast %lt3A_939 : i1 to vector<64x4096xi1>
    %ne3A_941 = vector.broadcast %ne3A_940 : vector<64x4096xi1> to vector<64x4096xi1>
    %ne3A_942 = arith.xori %lt3A_937, %ne3A_941 : vector<64x4096xi1>
    %and3A_943 = arith.andi %ne3A_942, %ne3A_934 : vector<64x4096xi1>
    %add3A_944 = vector.broadcast %select_n3A_929 : i32 to vector<64x4096xi32>
    %add3A_945 = arith.addi %rem3A_931, %add3A_944 : vector<64x4096xi32>
    %select_n3A_946 = arith.select %and3A_943, %add3A_945, %rem3A_931 : vector<64x4096xi1>, vector<64x4096xi32>
    %eq3A_947 = arith.constant 0 : i32
    %eq3A_948 = vector.broadcast %eq3A_947 : i32 to vector<64x4096xi32>
    %eq3A_949 = arith.cmpi eq, %select_n3A_946, %eq3A_948 : vector<64x4096xi32>
    %and3A_950 = arith.andi %eq3A_924, %eq3A_949 : vector<64x4096xi1>
    %jit3A_951 = arith.constant 8 : i32
    %eq3A_952 = arith.constant 0 : i32
    %eq3A_953 = arith.cmpi eq, %jit3A_951, %eq3A_952 : i32
    %jit3A_954 = arith.constant 1 : i32
    %select_n3A_955 = arith.select %eq3A_953, %jit3A_954, %jit3A_951 : i32
    %rem3A_956 = vector.broadcast %select_n3A_955 : i32 to vector<64x4096xi32>
    %rem3A_957 = arith.remsi %select_n3A_63, %rem3A_956 : vector<64x4096xi32>
    %ne3A_958 = arith.constant 0 : i32
    %ne3A_959 = vector.broadcast %ne3A_958 : i32 to vector<64x4096xi32>
    %ne3A_960 = arith.cmpi ne, %rem3A_957, %ne3A_959 : vector<64x4096xi32>
    %lt3A_961 = arith.constant 0 : i32
    %lt3A_962 = vector.broadcast %lt3A_961 : i32 to vector<64x4096xi32>
    %lt3A_963 = arith.cmpi slt, %rem3A_957, %lt3A_962 : vector<64x4096xi32>
    %lt3A_964 = arith.constant 0 : i32
    %lt3A_965 = arith.cmpi slt, %select_n3A_955, %lt3A_964 : i32
    %ne3A_966 = vector.broadcast %lt3A_965 : i1 to vector<64x4096xi1>
    %ne3A_967 = vector.broadcast %ne3A_966 : vector<64x4096xi1> to vector<64x4096xi1>
    %ne3A_968 = arith.xori %lt3A_963, %ne3A_967 : vector<64x4096xi1>
    %and3A_969 = arith.andi %ne3A_968, %ne3A_960 : vector<64x4096xi1>
    %add3A_970 = vector.broadcast %select_n3A_955 : i32 to vector<64x4096xi32>
    %add3A_971 = arith.addi %rem3A_957, %add3A_970 : vector<64x4096xi32>
    %select_n3A_972 = arith.select %and3A_969, %add3A_971, %rem3A_957 : vector<64x4096xi1>, vector<64x4096xi32>
    %eq3A_973 = arith.constant 0 : i32
    %eq3A_974 = vector.broadcast %eq3A_973 : i32 to vector<64x4096xi32>
    %eq3A_975 = arith.cmpi eq, %select_n3A_972, %eq3A_974 : vector<64x4096xi32>
    %and3A_976 = arith.andi %and3A_950, %eq3A_975 : vector<64x4096xi1>
    %gt3A_977 = arith.constant 0.000000e+00 : f32
    %gt3A_978 = vector.broadcast %gt3A_977 : f32 to vector<64x4096xf32>
    %gt3A_979 = arith.cmpf ogt, %add3A_899, %gt3A_978 : vector<64x4096xf32>
    %and3A_980 = arith.andi %and3A_976, %gt3A_979 : vector<64x4096xi1>
    %max3A_981 = arith.constant 9.99999996E-13 : f32
    %max3A_982 = vector.broadcast %max3A_981 : f32 to vector<64x4096xf32>
    %max3A_983 = arith.maximumf %add3A_899, %max3A_982 : vector<64x4096xf32>
    %div3A_984 = arith.divf %add3A_884, %max3A_983 : vector<64x4096xf32>
    %jit3A_985 = arith.constant 0.000000e+00 : f32
    %broadcast_in_dim3A_986 = vector.broadcast %jit3A_985 : f32 to vector<64x4096xf32>
    %select_n3A_987 = arith.select %and3A_980, %div3A_984, %broadcast_in_dim3A_986 : vector<64x4096xi1>, vector<64x4096xf32>
    %broadcast_in_dim3A_988 = arith.constant 0.000000e+00 : f32
    %broadcast_in_dim3A_989 = vector.broadcast %broadcast_in_dim3A_988 : f32 to vector<8x4096xf32>
    %slice3A_990 = vector.extract_strided_slice %select_n3A_987 {offsets = [0, 0], sizes = [56, 4096], strides = [1, 1]} : vector<64x4096xf32> to vector<56x4096xf32>
    %concatenate3A_991 = tpu.concatenate %broadcast_in_dim3A_989, %slice3A_990 in 0 : vector<8x4096xf32>, vector<56x4096xf32> -> vector<64x4096xf32>
    %broadcast_in_dim3A_992 = arith.constant 0.000000e+00 : f32
    %broadcast_in_dim3A_993 = vector.broadcast %broadcast_in_dim3A_992 : f32 to vector<8x4096xf32>
    %slice3A_994 = vector.extract_strided_slice %select_n3A_987 {offsets = [8, 0], sizes = [56, 4096], strides = [1, 1]} : vector<64x4096xf32> to vector<56x4096xf32>
    %concatenate3A_995 = tpu.concatenate %slice3A_994, %broadcast_in_dim3A_993 in 0 : vector<56x4096xf32>, vector<8x4096xf32> -> vector<64x4096xf32>
    %broadcast_in_dim3A_996 = arith.constant 0.000000e+00 : f32
    %broadcast_in_dim3A_997 = vector.broadcast %broadcast_in_dim3A_996 : f32 to vector<64x512xf32>
    %slice3A_998 = vector.extract_strided_slice %select_n3A_987 {offsets = [0, 0], sizes = [64, 3584], strides = [1, 1]} : vector<64x4096xf32> to vector<64x3584xf32>
    %concatenate3A_999 = tpu.concatenate %broadcast_in_dim3A_997, %slice3A_998 in 1 : vector<64x512xf32>, vector<64x3584xf32> -> vector<64x4096xf32>
    %broadcast_in_dim3A_1000 = arith.constant 0.000000e+00 : f32
    %broadcast_in_dim3A_1001 = vector.broadcast %broadcast_in_dim3A_1000 : f32 to vector<64x512xf32>
    %slice3A_1002 = vector.extract_strided_slice %select_n3A_987 {offsets = [0, 512], sizes = [64, 3584], strides = [1, 1]} : vector<64x4096xf32> to vector<64x3584xf32>
    %concatenate3A_1003 = tpu.concatenate %slice3A_1002, %broadcast_in_dim3A_1001 in 1 : vector<64x3584xf32>, vector<64x512xf32> -> vector<64x4096xf32>
    %broadcast_in_dim3A_1004 = arith.constant 0.000000e+00 : f32
    %broadcast_in_dim3A_1005 = vector.broadcast %broadcast_in_dim3A_1004 : f32 to vector<64x8xf32>
    %slice3A_1006 = vector.extract_strided_slice %select_n3A_987 {offsets = [0, 0], sizes = [64, 4088], strides = [1, 1]} : vector<64x4096xf32> to vector<64x4088xf32>
    %concatenate3A_1007 = tpu.concatenate %broadcast_in_dim3A_1005, %slice3A_1006 in 1 : vector<64x8xf32>, vector<64x4088xf32> -> vector<64x4096xf32>
    %ge3A_1008 = arith.constant 8 : i32
    %ge3A_1009 = vector.broadcast %ge3A_1008 : i32 to vector<64x4096xi32>
    %ge3A_1010 = arith.cmpi sge, %select_n3A_63, %ge3A_1009 : vector<64x4096xi32>
    %jit3A_1011 = arith.constant 0.000000e+00 : f32
    %broadcast_in_dim3A_1012 = vector.broadcast %jit3A_1011 : f32 to vector<64x4096xf32>
    %select_n3A_1013 = arith.select %ge3A_1010, %concatenate3A_1007, %broadcast_in_dim3A_1012 : vector<64x4096xi1>, vector<64x4096xf32>
    %broadcast_in_dim3A_1014 = arith.constant 0.000000e+00 : f32
    %broadcast_in_dim3A_1015 = vector.broadcast %broadcast_in_dim3A_1014 : f32 to vector<64x8xf32>
    %slice3A_1016 = vector.extract_strided_slice %select_n3A_987 {offsets = [0, 8], sizes = [64, 4088], strides = [1, 1]} : vector<64x4096xf32> to vector<64x4088xf32>
    %concatenate3A_1017 = tpu.concatenate %slice3A_1016, %broadcast_in_dim3A_1015 in 1 : vector<64x4088xf32>, vector<64x8xf32> -> vector<64x4096xf32>
    %lt3A_1018 = arith.constant 56 : i32
    %lt3A_1019 = vector.broadcast %lt3A_1018 : i32 to vector<64x4096xi32>
    %lt3A_1020 = arith.cmpi slt, %select_n3A_63, %lt3A_1019 : vector<64x4096xi32>
    %jit3A_1021 = arith.constant 0.000000e+00 : f32
    %broadcast_in_dim3A_1022 = vector.broadcast %jit3A_1021 : f32 to vector<64x4096xf32>
    %select_n3A_1023 = arith.select %lt3A_1020, %concatenate3A_1017, %broadcast_in_dim3A_1022 : vector<64x4096xi1>, vector<64x4096xf32>
    %broadcast_in_dim3A_1024 = arith.constant 0 : i32
    %broadcast_in_dim3A_1025 = vector.broadcast %broadcast_in_dim3A_1024 : i32 to vector<64x4096xi32>
    %convert_element_type3A_1026 = arith.truncf %concatenate3A_991 : vector<64x4096xf32> to vector<64x4096xbf16>
    %convert_element_type3A_1027 = arith.extf %convert_element_type3A_1026 : vector<64x4096xbf16> to vector<64x4096xf32>
    %sub3A_1028 = arith.subf %convert_element_type3A_1027, %select_n3A_987 : vector<64x4096xf32>
    %abs3A_1029 = math.absf %sub3A_1028 : vector<64x4096xf32>
    %lt3A_1030 = arith.constant 0.00999999977 : f32
    %lt3A_1031 = vector.broadcast %lt3A_1030 : f32 to vector<64x4096xf32>
    %lt3A_1032 = arith.cmpf olt, %abs3A_1029, %lt3A_1031 : vector<64x4096xf32>
    %and3A_1033 = arith.andi %and3A_980, %lt3A_1032 : vector<64x4096xi1>
    %jit3A_1034 = arith.constant 1 : i32
    %jit3A_1035 = arith.constant 0 : i32
    %broadcast_in_dim3A_1036 = vector.broadcast %jit3A_1034 : i32 to vector<64x4096xi32>
    %broadcast_in_dim3A_1037 = vector.broadcast %jit3A_1035 : i32 to vector<64x4096xi32>
    %select_n3A_1038 = arith.select %and3A_1033, %broadcast_in_dim3A_1036, %broadcast_in_dim3A_1037 : vector<64x4096xi1>, vector<64x4096xi32>
    %or3A_1039 = arith.ori %broadcast_in_dim3A_1025, %select_n3A_1038 : vector<64x4096xi32>
    %gt3A_1040 = arith.constant 0.000000e+00 : f32
    %gt3A_1041 = vector.broadcast %gt3A_1040 : f32 to vector<64x4096xf32>
    %gt3A_1042 = arith.cmpf ogt, %convert_element_type3A_1027, %gt3A_1041 : vector<64x4096xf32>
    %and3A_1043 = arith.andi %and3A_980, %gt3A_1042 : vector<64x4096xi1>
    %jit3A_1044 = arith.constant 64 : i32
    %jit3A_1045 = arith.constant 0 : i32
    %broadcast_in_dim3A_1046 = vector.broadcast %jit3A_1044 : i32 to vector<64x4096xi32>
    %broadcast_in_dim3A_1047 = vector.broadcast %jit3A_1045 : i32 to vector<64x4096xi32>
    %select_n3A_1048 = arith.select %and3A_1043, %broadcast_in_dim3A_1046, %broadcast_in_dim3A_1047 : vector<64x4096xi1>, vector<64x4096xi32>
    %or3A_1049 = arith.ori %or3A_1039, %select_n3A_1048 : vector<64x4096xi32>
    %convert_element_type3A_1050 = arith.truncf %concatenate3A_995 : vector<64x4096xf32> to vector<64x4096xbf16>
    %convert_element_type3A_1051 = arith.extf %convert_element_type3A_1050 : vector<64x4096xbf16> to vector<64x4096xf32>
    %sub3A_1052 = arith.subf %convert_element_type3A_1051, %select_n3A_987 : vector<64x4096xf32>
    %abs3A_1053 = math.absf %sub3A_1052 : vector<64x4096xf32>
    %lt3A_1054 = arith.constant 0.00999999977 : f32
    %lt3A_1055 = vector.broadcast %lt3A_1054 : f32 to vector<64x4096xf32>
    %lt3A_1056 = arith.cmpf olt, %abs3A_1053, %lt3A_1055 : vector<64x4096xf32>
    %and3A_1057 = arith.andi %and3A_980, %lt3A_1056 : vector<64x4096xi1>
    %jit3A_1058 = arith.constant 2 : i32
    %jit3A_1059 = arith.constant 0 : i32
    %broadcast_in_dim3A_1060 = vector.broadcast %jit3A_1058 : i32 to vector<64x4096xi32>
    %broadcast_in_dim3A_1061 = vector.broadcast %jit3A_1059 : i32 to vector<64x4096xi32>
    %select_n3A_1062 = arith.select %and3A_1057, %broadcast_in_dim3A_1060, %broadcast_in_dim3A_1061 : vector<64x4096xi1>, vector<64x4096xi32>
    %or3A_1063 = arith.ori %or3A_1049, %select_n3A_1062 : vector<64x4096xi32>
    %gt3A_1064 = arith.constant 0.000000e+00 : f32
    %gt3A_1065 = vector.broadcast %gt3A_1064 : f32 to vector<64x4096xf32>
    %gt3A_1066 = arith.cmpf ogt, %convert_element_type3A_1051, %gt3A_1065 : vector<64x4096xf32>
    %and3A_1067 = arith.andi %and3A_980, %gt3A_1066 : vector<64x4096xi1>
    %jit3A_1068 = arith.constant 128 : i32
    %jit3A_1069 = arith.constant 0 : i32
    %broadcast_in_dim3A_1070 = vector.broadcast %jit3A_1068 : i32 to vector<64x4096xi32>
    %broadcast_in_dim3A_1071 = vector.broadcast %jit3A_1069 : i32 to vector<64x4096xi32>
    %select_n3A_1072 = arith.select %and3A_1067, %broadcast_in_dim3A_1070, %broadcast_in_dim3A_1071 : vector<64x4096xi1>, vector<64x4096xi32>
    %or3A_1073 = arith.ori %or3A_1063, %select_n3A_1072 : vector<64x4096xi32>
    %convert_element_type3A_1074 = arith.truncf %concatenate3A_999 : vector<64x4096xf32> to vector<64x4096xbf16>
    %convert_element_type3A_1075 = arith.extf %convert_element_type3A_1074 : vector<64x4096xbf16> to vector<64x4096xf32>
    %sub3A_1076 = arith.subf %convert_element_type3A_1075, %select_n3A_987 : vector<64x4096xf32>
    %abs3A_1077 = math.absf %sub3A_1076 : vector<64x4096xf32>
    %lt3A_1078 = arith.constant 0.00999999977 : f32
    %lt3A_1079 = vector.broadcast %lt3A_1078 : f32 to vector<64x4096xf32>
    %lt3A_1080 = arith.cmpf olt, %abs3A_1077, %lt3A_1079 : vector<64x4096xf32>
    %and3A_1081 = arith.andi %and3A_980, %lt3A_1080 : vector<64x4096xi1>
    %jit3A_1082 = arith.constant 4 : i32
    %jit3A_1083 = arith.constant 0 : i32
    %broadcast_in_dim3A_1084 = vector.broadcast %jit3A_1082 : i32 to vector<64x4096xi32>
    %broadcast_in_dim3A_1085 = vector.broadcast %jit3A_1083 : i32 to vector<64x4096xi32>
    %select_n3A_1086 = arith.select %and3A_1081, %broadcast_in_dim3A_1084, %broadcast_in_dim3A_1085 : vector<64x4096xi1>, vector<64x4096xi32>
    %or3A_1087 = arith.ori %or3A_1073, %select_n3A_1086 : vector<64x4096xi32>
    %gt3A_1088 = arith.constant 0.000000e+00 : f32
    %gt3A_1089 = vector.broadcast %gt3A_1088 : f32 to vector<64x4096xf32>
    %gt3A_1090 = arith.cmpf ogt, %convert_element_type3A_1075, %gt3A_1089 : vector<64x4096xf32>
    %and3A_1091 = arith.andi %and3A_980, %gt3A_1090 : vector<64x4096xi1>
    %jit3A_1092 = arith.constant 256 : i32
    %jit3A_1093 = arith.constant 0 : i32
    %broadcast_in_dim3A_1094 = vector.broadcast %jit3A_1092 : i32 to vector<64x4096xi32>
    %broadcast_in_dim3A_1095 = vector.broadcast %jit3A_1093 : i32 to vector<64x4096xi32>
    %select_n3A_1096 = arith.select %and3A_1091, %broadcast_in_dim3A_1094, %broadcast_in_dim3A_1095 : vector<64x4096xi1>, vector<64x4096xi32>
    %or3A_1097 = arith.ori %or3A_1087, %select_n3A_1096 : vector<64x4096xi32>
    %convert_element_type3A_1098 = arith.truncf %concatenate3A_1003 : vector<64x4096xf32> to vector<64x4096xbf16>
    %convert_element_type3A_1099 = arith.extf %convert_element_type3A_1098 : vector<64x4096xbf16> to vector<64x4096xf32>
    %sub3A_1100 = arith.subf %convert_element_type3A_1099, %select_n3A_987 : vector<64x4096xf32>
    %abs3A_1101 = math.absf %sub3A_1100 : vector<64x4096xf32>
    %lt3A_1102 = arith.constant 0.00999999977 : f32
    %lt3A_1103 = vector.broadcast %lt3A_1102 : f32 to vector<64x4096xf32>
    %lt3A_1104 = arith.cmpf olt, %abs3A_1101, %lt3A_1103 : vector<64x4096xf32>
    %and3A_1105 = arith.andi %and3A_980, %lt3A_1104 : vector<64x4096xi1>
    %jit3A_1106 = arith.constant 8 : i32
    %jit3A_1107 = arith.constant 0 : i32
    %broadcast_in_dim3A_1108 = vector.broadcast %jit3A_1106 : i32 to vector<64x4096xi32>
    %broadcast_in_dim3A_1109 = vector.broadcast %jit3A_1107 : i32 to vector<64x4096xi32>
    %select_n3A_1110 = arith.select %and3A_1105, %broadcast_in_dim3A_1108, %broadcast_in_dim3A_1109 : vector<64x4096xi1>, vector<64x4096xi32>
    %or3A_1111 = arith.ori %or3A_1097, %select_n3A_1110 : vector<64x4096xi32>
    %gt3A_1112 = arith.constant 0.000000e+00 : f32
    %gt3A_1113 = vector.broadcast %gt3A_1112 : f32 to vector<64x4096xf32>
    %gt3A_1114 = arith.cmpf ogt, %convert_element_type3A_1099, %gt3A_1113 : vector<64x4096xf32>
    %and3A_1115 = arith.andi %and3A_980, %gt3A_1114 : vector<64x4096xi1>
    %jit3A_1116 = arith.constant 512 : i32
    %jit3A_1117 = arith.constant 0 : i32
    %broadcast_in_dim3A_1118 = vector.broadcast %jit3A_1116 : i32 to vector<64x4096xi32>
    %broadcast_in_dim3A_1119 = vector.broadcast %jit3A_1117 : i32 to vector<64x4096xi32>
    %select_n3A_1120 = arith.select %and3A_1115, %broadcast_in_dim3A_1118, %broadcast_in_dim3A_1119 : vector<64x4096xi1>, vector<64x4096xi32>
    %or3A_1121 = arith.ori %or3A_1111, %select_n3A_1120 : vector<64x4096xi32>
    %convert_element_type3A_1122 = arith.truncf %select_n3A_1013 : vector<64x4096xf32> to vector<64x4096xbf16>
    %convert_element_type3A_1123 = arith.extf %convert_element_type3A_1122 : vector<64x4096xbf16> to vector<64x4096xf32>
    %sub3A_1124 = arith.subf %convert_element_type3A_1123, %select_n3A_987 : vector<64x4096xf32>
    %abs3A_1125 = math.absf %sub3A_1124 : vector<64x4096xf32>
    %lt3A_1126 = arith.constant 0.00999999977 : f32
    %lt3A_1127 = vector.broadcast %lt3A_1126 : f32 to vector<64x4096xf32>
    %lt3A_1128 = arith.cmpf olt, %abs3A_1125, %lt3A_1127 : vector<64x4096xf32>
    %and3A_1129 = arith.andi %and3A_980, %lt3A_1128 : vector<64x4096xi1>
    %jit3A_1130 = arith.constant 16 : i32
    %jit3A_1131 = arith.constant 0 : i32
    %broadcast_in_dim3A_1132 = vector.broadcast %jit3A_1130 : i32 to vector<64x4096xi32>
    %broadcast_in_dim3A_1133 = vector.broadcast %jit3A_1131 : i32 to vector<64x4096xi32>
    %select_n3A_1134 = arith.select %and3A_1129, %broadcast_in_dim3A_1132, %broadcast_in_dim3A_1133 : vector<64x4096xi1>, vector<64x4096xi32>
    %or3A_1135 = arith.ori %or3A_1121, %select_n3A_1134 : vector<64x4096xi32>
    %gt3A_1136 = arith.constant 0.000000e+00 : f32
    %gt3A_1137 = vector.broadcast %gt3A_1136 : f32 to vector<64x4096xf32>
    %gt3A_1138 = arith.cmpf ogt, %convert_element_type3A_1123, %gt3A_1137 : vector<64x4096xf32>
    %and3A_1139 = arith.andi %and3A_980, %gt3A_1138 : vector<64x4096xi1>
    %jit3A_1140 = arith.constant 1024 : i32
    %jit3A_1141 = arith.constant 0 : i32
    %broadcast_in_dim3A_1142 = vector.broadcast %jit3A_1140 : i32 to vector<64x4096xi32>
    %broadcast_in_dim3A_1143 = vector.broadcast %jit3A_1141 : i32 to vector<64x4096xi32>
    %select_n3A_1144 = arith.select %and3A_1139, %broadcast_in_dim3A_1142, %broadcast_in_dim3A_1143 : vector<64x4096xi1>, vector<64x4096xi32>
    %or3A_1145 = arith.ori %or3A_1135, %select_n3A_1144 : vector<64x4096xi32>
    %convert_element_type3A_1146 = arith.truncf %select_n3A_1023 : vector<64x4096xf32> to vector<64x4096xbf16>
    %convert_element_type3A_1147 = arith.extf %convert_element_type3A_1146 : vector<64x4096xbf16> to vector<64x4096xf32>
    %sub3A_1148 = arith.subf %convert_element_type3A_1147, %select_n3A_987 : vector<64x4096xf32>
    %abs3A_1149 = math.absf %sub3A_1148 : vector<64x4096xf32>
    %lt3A_1150 = arith.constant 0.00999999977 : f32
    %lt3A_1151 = vector.broadcast %lt3A_1150 : f32 to vector<64x4096xf32>
    %lt3A_1152 = arith.cmpf olt, %abs3A_1149, %lt3A_1151 : vector<64x4096xf32>
    %and3A_1153 = arith.andi %and3A_980, %lt3A_1152 : vector<64x4096xi1>
    %jit3A_1154 = arith.constant 32 : i32
    %jit3A_1155 = arith.constant 0 : i32
    %broadcast_in_dim3A_1156 = vector.broadcast %jit3A_1154 : i32 to vector<64x4096xi32>
    %broadcast_in_dim3A_1157 = vector.broadcast %jit3A_1155 : i32 to vector<64x4096xi32>
    %select_n3A_1158 = arith.select %and3A_1153, %broadcast_in_dim3A_1156, %broadcast_in_dim3A_1157 : vector<64x4096xi1>, vector<64x4096xi32>
    %or3A_1159 = arith.ori %or3A_1145, %select_n3A_1158 : vector<64x4096xi32>
    %gt3A_1160 = arith.constant 0.000000e+00 : f32
    %gt3A_1161 = vector.broadcast %gt3A_1160 : f32 to vector<64x4096xf32>
    %gt3A_1162 = arith.cmpf ogt, %convert_element_type3A_1147, %gt3A_1161 : vector<64x4096xf32>
    %and3A_1163 = arith.andi %and3A_980, %gt3A_1162 : vector<64x4096xi1>
    %jit3A_1164 = arith.constant 2048 : i32
    %jit3A_1165 = arith.constant 0 : i32
    %broadcast_in_dim3A_1166 = vector.broadcast %jit3A_1164 : i32 to vector<64x4096xi32>
    %broadcast_in_dim3A_1167 = vector.broadcast %jit3A_1165 : i32 to vector<64x4096xi32>
    %select_n3A_1168 = arith.select %and3A_1163, %broadcast_in_dim3A_1166, %broadcast_in_dim3A_1167 : vector<64x4096xi1>, vector<64x4096xi32>
    %or3A_1169 = arith.ori %or3A_1159, %select_n3A_1168 : vector<64x4096xi32>
    %swap3A_1170 = arith.constant 0 : index
    %swap3A_1171 = arith.constant 0 : index
    %swap3A_1172 = vector.load %arg5[%swap3A_1170, %swap3A_1171] : memref<64x4096xi32, #tpu.memory_space<vmem>>, vector<64x4096xi32>
    tpu.vector_store %arg5[%swap3A_1170, %swap3A_1171], %or3A_1169 {strides = array<i32>} : memref<64x4096xi32, #tpu.memory_space<vmem>>, vector<64x4096xi32>,
    return
  }
}

</mosaic_0001>

<sc_bundles>
// kernel: kernel.4.cloned.1.call-start
scs
__scs_entry_jumppad:
0x0: {  	(pc) =	sbr.rel $0x88, $3  }
0x1: {  	(tag) =	ssettag $0x0;
	lr =	simm.s32 $0x1  }
0x2: {  	[smem:$0x3F9F] =	sst lr;
	_ =	strace $0xD0000000  }
0x3: {  	_ = 	snop  }
0x4: {  	_ = 	snop  }
0x5: {  	_ = 	snop  }
0x6: {  	_ = 	snop  }
0x7: {  	_ = 	snop  }
__scs_overlays_trampoline_lowered:
0x8: {  	[smem:$0x3FAE] =	sst s0  }
0x9: {  	[smem:$0x3FAF] =	sst s1  }
0xa: {  	[smem:$0x3FB0] =	sst s2  }
0xb: {  	[smem:$0x3FB1] =	sst s3  }
0xc: {  	[smem:$0x3FB2] =	sst s4  }
0xd: {  	[smem:$0x3FB3] =	sst s5  }
0xe: {  	[smem:$0x3FB4] =	sst s6  }
0xf: {  	[smem:$0x3FB5] =	sst s7  }
0x10: {  	[smem:$0x3FB6] =	sst s8  }
0x11: {  	[smem:$0x3FB7] =	sst s9;
	s0 =	simm.s32 @!p0 $0x0  }
0x12: {  	s1 =	sld [smem:$0x3F9D];
	s0 =	simm.s32 @p0 $0x1  }
0x13: {  	[smem:$0x3FB8] =	sst s0;
	s0 =	simm.s32 @!p1 $0x0  }
0x14: {  	s2 =	sld [smem:$0x3F9C];
	s0 =	simm.s32 @p1 $0x1  }
0x15: {  	[smem:$0x3FB9] =	sst s0;
	s0 =	simm.s32 @!p2 $0x0  }
0x16: {  	s3 =	sld [smem:$0x3FDB];
	s0 =	simm.s32 @p2 $0x1  }
0x17: {  	s4 =	simm.s32 $0x1BF5;
	[smem:$0x3FBB] =	sst s0  }
0x18: {  	s0 =	sld [smem:$0x3F9E];
	_ =	swait.ge [sflag:s4], $0x0  }
0x19: {  	s7 =	sld [smem:$0x3F9F]  }
0x1a: {  	s8 =	sadd.s32 $0xFFFFE003, lr  }
0x1b: {  	s9 =	sadd.s32 $0xFFFFFEF7, lr;
	s5 =	simm.s32 $0xFFFFFFFF;
	p2 =	slt.u32 s8, $0xFFFFF086  }
0x1c: {  	p1 =	slt.u32 s9, $0xF7A;
	s5 =	simm.s32 @!p2 $0x0  }
0x1d: {  	s5 =	simm.s32 @p1 $0x1;
	p0 =	seq.s32 s7, s2  }
0x1e: {  	s7 =	smul.u32 @!p0 $0xF7A, s2;
	p2 =	seq.s32 @!p0 s5, $0x0  }
0x1f: {  	s9 =	smul.u32 $0xF7A, s1;
	s8 =	simm.s32 @!p0 $0x1BF5;
	p2 =	por !p2, p0  }
0x20: {  	[sflag:s8] =	ssyncset.s32 @!p0 $0xFFFFF086;
	s6 =	sadd.s32 @!p0 s3, s7;
	s7 =	simm.s32 @!p0 $0x108  }
0x21: {  	s3 =	sadd.s32 s3, s9;
	s6 =	sadd.s32 @!p0 $0x88, s6;
	s7 =	simm.s32 @p2 $0x1082  }
0x22: {  	[simem:s7], [sflag:s8] =	dma.local @!p0 [hbm:s6], $0xF7A  }
0x23: {  	s9 =	sor.u32 $0xD0000000, s2;
	s6 =	simm.s32 $0x108;
	_ =	swait.ge @!p0 [sflag:s8], $0x0  }
0x24: {  	s3 =	sadd.s32 $0x88, s3;
	s6 =	simm.s32 @!p1 $0x1082;
	[sflag:s4] =	ssyncset.s32 $0xFFFFF086  }
0x25: {  	[simem:s6], [sflag:s4] =	dma.local [hbm:s3], $0xF7A  }
0x26: {  	[smem:$0x3F9F] =	sst s1;
	(tag) =	ssettag s2;
	_ =	strace s9  }
0x27: {  	s1 =	sld [smem:$0x3FAF]  }
0x28: {  	s2 =	sld [smem:$0x3FB0]  }
0x29: {  	s4 =	sld [smem:$0x3FB2]  }
0x2a: {  	p0 =	seq.s32 s5, $0x0;
	s5 =	sld [smem:$0x3FB3]  }
0x2b: {  	s6 =	sld [smem:$0x3FB4]  }
0x2c: {  	s7 =	sld [smem:$0x3FB5]  }
0x2d: {  	s3 =	simm.s32 $0x108;
	s8 =	sld [smem:$0x3FB6]  }
0x2e: {  	s3 =	simm.s32 @!p0 $0x1082;
	s9 =	sld [smem:$0x3FB7]  }
0x2f: {  	lr =	sadd.s32 s0, s3;
	s0 =	sld [smem:$0x3FAE]  }
0x30: {  	s3 =	sld [smem:$0x3FB1]  }
0x31: {  	[smem:$0x3FBA] =	sst s10  }
0x32: {  	s10 =	sld [smem:$0x3FB8];
	_ =	sdelay $0x3  }
0x33: {  	p0 =	seq.s32 s10, $0x1;
	s10 =	sld [smem:$0x3FBA];
	_ =	sdelay $0x3  }
0x34: {  	[smem:$0x3FBA] =	sst s10  }
0x35: {  	s10 =	sld [smem:$0x3FB9];
	_ =	sdelay $0x3  }
0x36: {  	p1 =	seq.s32 s10, $0x1;
	s10 =	sld [smem:$0x3FBA];
	_ =	sdelay $0x3  }
0x37: {  	[smem:$0x3FBA] =	sst s10  }
0x38: {  	s10 =	sld [smem:$0x3FBB]  }
0x39: {  	_ = 	snop;
	(pc) =	sbr.ind lr, $3  }
0x3a: {  	_ = 	snop  }
0x3b: {  	_ = 	snop  }
0x3c: {  	p2 =	seq.s32 s10, $0x1;
	s10 =	sld [smem:$0x3FBA]  }
0x3d: {  	_ =	shalt  }
0x3e: {  	_ =	shalt  }
0x3f: {  	_ =	shalt  }
0x40: {  	_ =	shalt  }
0x41: {  	_ =	shalt  }
0x42: {  	_ =	shalt  }
0x43: {  	_ =	shalt  }
0x44: {  	_ =	shalt  }
0x45: {  	_ =	shalt  }
0x46: {  	_ =	shalt  }
0x47: {  	_ =	shalt  }
0x48: {  	_ =	shalt  }
0x49: {  	_ =	shalt  }
0x4a: {  	_ =	shalt  }
0x4b: {  	_ =	shalt  }
0x4c: {  	_ =	shalt  }
0x4d: {  	_ =	shalt  }
0x4e: {  	_ =	shalt  }
0x4f: {  	_ =	shalt  }
0x50: {  	_ =	shalt  }
0x51: {  	_ =	shalt  }
0x52: {  	_ =	shalt  }
0x53: {  	_ =	shalt  }
0x54: {  	_ =	shalt  }
0x55: {  	_ =	shalt  }
0x56: {  	_ =	shalt  }
0x57: {  	_ =	shalt  }
0x58: {  	_ =	shalt  }
0x59: {  	_ =	shalt  }
0x5a: {  	_ =	shalt  }
0x5b: {  	_ =	shalt  }
0x5c: {  	_ =	shalt  }
0x5d: {  	_ =	shalt  }
0x5e: {  	_ =	shalt  }
0x5f: {  	_ =	shalt  }
0x60: {  	_ =	shalt  }
0x61: {  	_ =	shalt  }
0x62: {  	_ =	shalt  }
0x63: {  	_ =	shalt  }
0x64: {  	_ =	shalt  }
0x65: {  	_ =	shalt  }
0x66: {  	_ =	shalt  }
0x67: {  	_ =	shalt  }
0x68: {  	_ =	shalt  }
0x69: {  	_ =	shalt  }
0x6a: {  	_ =	shalt  }
0x6b: {  	_ =	shalt  }
0x6c: {  	_ =	shalt  }
0x6d: {  	_ =	shalt  }
0x6e: {  	_ =	shalt  }
0x6f: {  	_ =	shalt  }
0x70: {  	_ =	shalt  }
0x71: {  	_ =	shalt  }
0x72: {  	_ =	shalt  }
0x73: {  	_ =	shalt  }
0x74: {  	_ =	shalt  }
0x75: {  	_ =	shalt  }
0x76: {  	_ =	shalt  }
0x77: {  	_ =	shalt  }
0x78: {  	_ =	shalt  }
0x79: {  	_ =	shalt  }
0x7a: {  	_ =	shalt  }
0x7b: {  	_ =	shalt  }
0x7c: {  	_ =	shalt  }
0x7d: {  	_ =	shalt  }
0x7e: {  	_ =	shalt  }
0x7f: {  	_ =	shalt  }
0x80: {  	_ =	shalt  }
0x81: {  	_ =	shalt  }
0x82: {  	_ =	shalt  }
0x83: {  	_ =	shalt  }
0x84: {  	_ =	shalt  }
0x85: {  	_ =	shalt  }
0x86: {  	_ =	shalt  }
0x87: {  	_ =	shalt  }
.Lfunc_end0:
.L_simem_size_0:
called_computation_lowered:
.L_overlay_start_0:
0x88: {  	s2 =	sld [smem:$0x3FD9]  }
0x89: {  	s3 =	sld [smem:$0x3FFE];
	_ =	sdelay $0x1  }
0x8a: {  	s1 =	srdreg.scid  }
0x8b: {  	s0 =	sand.u32 $0x1, s1  }
0x8c: {  	s14 =	sshll.u32 s0, $0xA;
	s2 =	sadd.s32 s3, s2  }
0x8d: {  	s2 =	sadd.s32 s2, s14  }
0x8e: {  	[smem:$0x3FC6] =	sst s2  }
0x8f: {  	_ = 	snop  }
0x90: {  	s2 =	sld [smem:$0x3FD0];
	_ =	sdelay $0x2  }
0x91: {  	s15 =	simm.s32 $0xA;
	s4 =	simm.s32 $0x10  }
0x92: {  	[smem:s4], [sflag:s15] =	dma.local [hbm:s2], $0x1  }
0x93: {  	_ =	swait.eq [sflag:s15], $0x1  }
0x94: {  	s16 =	sld [smem:$0x10]  }
0x95: {  	s17 =	sld [smem:$0x11];
	[sflag:s15] =	ssyncset.done $0x0  }
0x96: {  	s5 =	sld [smem:$0x12];
	[sflag:s15] =	ssyncadd.s32 $0xFFFFFFFF  }
0x97: {  	s18 =	sld [smem:$0x13];
	(tm) =	ssettm $0x1  }
0x98: {  	s6 =	sld [smem:$0x3FFB];
	_ =	sdelay $0x3  }
0x99: {  	_ =	strace s6  }
0x9a: {  	s6 =	sld [smem:$0x3FFC];
	_ =	sdelay $0x3  }
0x9b: {  	_ =	strace s6  }
0x9c: {  	s6 =	sld [smem:$0x3FFD];
	_ =	sdelay $0x3  }
0x9d: {  	_ =	strace s6  }
0x9e: {  	_ =	strace $0x8FFFFFFF  }
0x9f: {  	s19 =	sld [smem:$0x3FDB];
	_ =	sdelay $0x1  }
0xa0: {  	s7 =	simm.s32 $_scs_section_size  }
0xa1: {  	s8 =	simm.s32 $_size__tile_overlayer_lowered;
	s9 =	simm.s32 $_tile_overlayer_lowered  }
0xa2: {  	s22 =	simm.s32 $0x1BFF;
	s21 =	sshll.u32 s9, $0x1;
	s6 =	sadd.s32 s7, s19  }
0xa3: {  	s10 =	simm.s32 $0x0;
	s20 =	sshll.u32 s8, $0x1;
	s8 =	sadd.s32 s21, s6  }
0xa4: {  	[timem:s10], [sflag:s22] =	dma.local [hbm:s8], s20  }
0xa5: {  	_ =	swait.ge [sflag:s22], s20  }
0xa6: {  	s7 =	ssub.s32 $0x0, s20;
	[sflag:s22] =	ssyncset.done $0x0  }
0xa7: {  	[sflag:s22] =	ssyncadd.s32 s7;
	_ =	sdelay $0x1  }
0xa8: {  	s23 =	simm.s32 $0x1B8B  }
0xa9: {  	_ =	swait.ge [sflag:s23], $0x1  }
0xaa: {  	[sflag:s23] =	ssyncset.done $0x0  }
0xab: {  	s25 =	simm.s32 $0x1B8E;
	s24 =	sld [smem:$0x3FFE];
	[sflag:s23] =	ssyncadd.s32 $0xFFFFFFFF  }
0xac: {  	s26 =	simm.s32 $execute0_lowered;
	[smem:$0x3FD2] =	sst s25  }
0xad: {  	s8 =	sshll.u32 s26, $0x1;
	_ =	strace $0x80000046;
	[dreg:$0x1] =	wrdreg $0xFFFFFFFF  }
0xae: {  	s28 =	simm.s32 $_size_execute0_lowered;
	s6 =	sadd.s32 s6, s8;
	[dreg:$0x0] =	wrdreg $0x0  }
0xaf: {  	s8 =	sshll.u32 s28, $0x1;
	[dreg:$0x2] =	wrdreg s6  }
0xb0: {  	[dreg:$0x3] =	wrdreg s8  }
0xb1: {  	[dreg:$0x4] =	wrdreg $0xC0  }
0xb2: {  	_ =	task [dreg:s10], $0x5FFFF  }
0xb3: {  	[dreg:$0x1] =	wrdreg $0xFFFFFFFF  }
0xb4: {  	[dreg:$0x0] =	wrdreg $0x60  }
0xb5: {  	[dreg:$0x2] =	wrdreg s5  }
0xb6: {  	[dreg:$0x3] =	wrdreg s24  }
0xb7: {  	[dreg:$0x4] =	wrdreg s18  }
0xb8: {  	[dreg:$0x5] =	wrdreg s17  }
0xb9: {  	[dreg:$0x6] =	wrdreg s16  }
0xba: {  	[dreg:$0x7] =	wrdreg $0x30000  }
0xbb: {  	[dreg:$0x8] =	wrdreg $0x70000  }
0xbc: {  	[dreg:$0x9] =	wrdreg $0x9  }
0xbd: {  	_ =	task.clear_ibuf [dreg:s10], $0xAFFFF;
	_ =	strace $0x90000046  }
0xbe: {  	s29 =	simm.s32 $0x9;
	_ =	strace $0x80000048  }
0xbf: {  	_ =	swait.ge [sflag:s29], $0x1  }
0xc0: {  	[sflag:s29] =	ssyncadd.s32 $0xFFFFFFFF  }
0xc1: {  	_ =	strace $0x90000048  }
0xc2: {  	_ =	sfence  }
0xc3: {  	s30 =	sld [smem:$0x0];
	_ =	sdelay $0x2  }
0xc4: {  	s31 =	sshll.u32 s1, $0xD;
	s1 =	sshrl.u32 s1, $0x2  }
0xc5: {  	s3 =	sand.u32 $0x4000, s31;
	s1 =	sadd.s32 s1, s30  }
0xc6: {  	s0 =	sor.u32 s3, s0;
	s1 =	sshll.u32 s1, $0x11  }
0xc7: {  	s0 =	sor.u32 s1, s0  }
0xc8: {  	s0 =	sadd.s32 $0x8F2B, s0  }
0xc9: {  	[sflag:s0] =	ssyncadd.remote.s32 $0x1  }
0xca: {  	_ =	sfence.sel $0xFFFF  }
0xcb: {  	[dreg:$0x0] =	wrdreg $0xFFFFFFFF;
	(pc) =	sbr.abs _section_cstart, $3  }
0xcc: {  	[dreg:$0x1] =	wrdreg $0xFFFFFFFF  }
0xcd: {  	_ =	task.clear_ibuf [dreg:s10], $0x2FFFF;
	_ =	strace $0x9FFFFFFF  }
0xce: {  	(tm) =	ssettm $0x7FFFFFFF  }
0xcf: {  	_ =	shalt  }
tec
execute0_lowered:
.L_overlay_start_1:
0x0: {  	(tag) =	ssettag $0x1  }
0x1: {  	s6 =	rddreg [dreg:$0x0]  }
0x2: {  	s7 =	rddreg [dreg:$0x1]  }
0x3: {  	s1 =	rddreg [dreg:$0x2]  }
0x4: {  	s9 =	rddreg [dreg:$0x3]  }
0x5: {  	s10 =	rddreg [dreg:$0x4]  }
0x6: {  	s3 =	rddreg [dreg:$0x5]  }
0x7: {  	s4 =	rddreg [dreg:$0x6];
	s5 =	srdreg.scid  }
0x8: {  	s0 =	rddreg [dreg:$0x7];
	s2 =	stileid.u32  }
0x9: {  	s18 =	simm.s32 $0x80;
	s19 =	simm.s32 $0x1;
	s20 =	simm.s32 $0x0  }
0xa: {  	s8 =	sand.u32 $0x1, s5;
	s5 =	simm.s32 $0x0;
	s11 =	sshll.u32 s2, $0xA  }
0xb: {  	s14 =	sshll.u32 s2, $0xE;
	s15 =	sshll.u32 s2, $0x6;
	s12 =	sshll.u32 s8, $0x9  }
0xc: {  	[smem:$0x7FF] =	sst s5;
	s30 =	ssub.s32 $0x2, s8;
	s8 =	sshll.u32 s8, $0x12  }
0xd: {  	s16 =	sadd.s32 s14, s3;
	s17 =	sadd.s32 s14, s4;
	s15 =	sor.u32 $0x1C02, s15  }
0xe: {  	s11 =	sor.u32 s12, s11;
	_ =	strace $0x80000047;
	s13 =	sshrl.u32 s30, $0x1  }
0xf: {  	s31 =	sor.u32 s14, s8;
	s14 =	simm.s32 $0x2000;
	s16 =	sshrl.u32 s16, $0x3  }
0x10: {  	s17 =	sshrl.u32 s17, $0x3;
	s12 =	sadd.s32 s11, s7;
	s13 =	ssub.s32 s30, s13  }
0x11: {  	s6 =	sadd.s32 s6, s11;
	s11 =	sshrl.u32 s31, $0x3;
	s7 =	sadd.s32 $0x4A00, s12  }
0x12: {  	s8 =	sadd.s32 $0xA00, s12;
	s9 =	sadd.s32 s9, s11;
	s10 =	sadd.s32 s10, s11  }
0x13: {  	s11 =	smax.u32 s13, $0x1;
	s12 =	simm.s32 $0x2;
	s13 =	simm.s32 $0x1000  }
.LBB2_1:
0x14: {  	[tilespmem:s5], [sflag:$0x2] =	stream.linear.gather [hbm4b:s6+s5], $0x1000, $0x38;
	[tilespmem:$0xB000] =	vst v63  }
0x15: {  	_ =	swait.ge [sflag:s12], $0x1000  }
0x16: {  	[sflag:s12] =	ssyncset.done $0x0  }
0x17: {  	[sflag:s12] =	ssyncadd.s32 $0xFFFFF000  }
0x18: {  	[tilespmem:s13], [sflag:$0x2] =	stream.linear.gather [hbm4b:s7+s5], $0x1000, $0x38;
	[tilespmem:$0xB000] =	vst v63  }
0x19: {  	_ =	swait.ge [sflag:s12], $0x1000  }
0x1a: {  	[sflag:s12] =	ssyncset.done $0x0  }
0x1b: {  	[sflag:s12] =	ssyncadd.s32 $0xFFFFF000  }
0x1c: {  	[tilespmem:s14], [sflag:$0x2] =	stream.linear.gather [hbm4b:s8+s5], $0x1000, $0x38;
	[tilespmem:$0xB000] =	vst v63  }
0x1d: {  	_ =	swait.ge [sflag:s12], $0x1000  }
0x1e: {  	[sflag:s12] =	ssyncset.done $0x0  }
0x1f: {  	[sflag:s12] =	ssyncadd.s32 $0xFFFFF000  }
0x20: {  	[spmem:s16], [sflag:s15] =	dma.local [hbm:s1], $0x800  }
0x21: {  	_ =	swait.ge [sflag:s12], $0x800  }
0x22: {  	[sflag:s12] =	ssyncset.done $0x0  }
0x23: {  	[sflag:s12] =	ssyncadd.s32 $0xFFFFF800  }
0x24: {  	[spmem:s17], [sflag:s15] =	dma.local [hbm:s1], $0x800  }
0x25: {  	_ =	swait.ge [sflag:s12], $0x800  }
0x26: {  	[sflag:s12] =	ssyncset.done $0x0  }
0x27: {  	[sflag:s12] =	ssyncadd.s32 $0xFFFFF800  }
0x28: {  	s21 =	simm.s32 $0x0;
	s22 =	simm.s32 $0x1000;
	[bflag:$0x0] =	sbarrier.arrive $0xFFFF  }
0x29: {  	[spmem:s3] =	stream.indirect.scatter.add.f32 [tilespmem:s22], [sflag:$0x1], $0x1, s21, s18, $0xb8;
	[tilespmem:$0xB000] =	vst v63  }
0x2a: {  	s28 =	simm.s32 $0x2000  }
0x2b: {  	[spmem:s4] =	stream.indirect.scatter.add.f32 [tilespmem:s28], [sflag:$0x1], $0x1, s21, s18, $0xb8;
	[tilespmem:$0xB000] =	vst v63  }
0x2c: {  	s29 =	simm.s32 $0x1080;
	s30 =	simm.s32 $0x80  }
0x2d: {  	[spmem:s3] =	stream.indirect.scatter.add.f32 [tilespmem:s29], [sflag:$0x1], $0x1, s30, s18, $0xb8;
	[tilespmem:$0xB000] =	vst v63  }
0x2e: {  	s31 =	simm.s32 $0x2080  }
0x2f: {  	[spmem:s4] =	stream.indirect.scatter.add.f32 [tilespmem:s31], [sflag:$0x1], $0x1, s30, s18, $0xb8;
	[tilespmem:$0xB000] =	vst v63  }
0x30: {  	s23 =	simm.s32 $0x100;
	s22 =	simm.s32 $0x1100  }
0x31: {  	[spmem:s3] =	stream.indirect.scatter.add.f32 [tilespmem:s22], [sflag:$0x1], $0x1, s23, s18, $0xb8;
	[tilespmem:$0xB000] =	vst v63  }
0x32: {  	s24 =	simm.s32 $0x2100  }
0x33: {  	[spmem:s4] =	stream.indirect.scatter.add.f32 [tilespmem:s24], [sflag:$0x1], $0x1, s23, s18, $0xb8;
	[tilespmem:$0xB000] =	vst v63  }
0x34: {  	s25 =	simm.s32 $0x1180;
	s26 =	simm.s32 $0x180  }
0x35: {  	[spmem:s3] =	stream.indirect.scatter.add.f32 [tilespmem:s25], [sflag:$0x1], $0x1, s26, s18, $0xb8;
	[tilespmem:$0xB000] =	vst v63  }
0x36: {  	s28 =	simm.s32 $0x2180  }
0x37: {  	[spmem:s4] =	stream.indirect.scatter.add.f32 [tilespmem:s28], [sflag:$0x1], $0x1, s26, s18, $0xb8;
	[tilespmem:$0xB000] =	vst v63  }
0x38: {  	s29 =	simm.s32 $0x1200;
	s30 =	simm.s32 $0x200  }
0x39: {  	[spmem:s3] =	stream.indirect.scatter.add.f32 [tilespmem:s29], [sflag:$0x1], $0x1, s30, s18, $0xb8;
	[tilespmem:$0xB000] =	vst v63  }
0x3a: {  	s31 =	simm.s32 $0x2200  }
0x3b: {  	[spmem:s4] =	stream.indirect.scatter.add.f32 [tilespmem:s31], [sflag:$0x1], $0x1, s30, s18, $0xb8;
	[tilespmem:$0xB000] =	vst v63  }
0x3c: {  	s22 =	simm.s32 $0x1280;
	s23 =	simm.s32 $0x280  }
0x3d: {  	[spmem:s3] =	stream.indirect.scatter.add.f32 [tilespmem:s22], [sflag:$0x1], $0x1, s23, s18, $0xb8;
	[tilespmem:$0xB000] =	vst v63  }
0x3e: {  	s24 =	simm.s32 $0x2280  }
0x3f: {  	[spmem:s4] =	stream.indirect.scatter.add.f32 [tilespmem:s24], [sflag:$0x1], $0x1, s23, s18, $0xb8;
	[tilespmem:$0xB000] =	vst v63  }
0x40: {  	s25 =	simm.s32 $0x1300;
	s26 =	simm.s32 $0x300  }
0x41: {  	[spmem:s3] =	stream.indirect.scatter.add.f32 [tilespmem:s25], [sflag:$0x1], $0x1, s26, s18, $0xb8;
	[tilespmem:$0xB000] =	vst v63  }
0x42: {  	s28 =	simm.s32 $0x2300  }
0x43: {  	[spmem:s4] =	stream.indirect.scatter.add.f32 [tilespmem:s28], [sflag:$0x1], $0x1, s26, s18, $0xb8;
	[tilespmem:$0xB000] =	vst v63  }
0x44: {  	s29 =	simm.s32 $0x1380;
	s30 =	simm.s32 $0x380  }
0x45: {  	[spmem:s3] =	stream.indirect.scatter.add.f32 [tilespmem:s29], [sflag:$0x1], $0x1, s30, s18, $0xb8;
	[tilespmem:$0xB000] =	vst v63  }
0x46: {  	s31 =	simm.s32 $0x2380  }
0x47: {  	[spmem:s4] =	stream.indirect.scatter.add.f32 [tilespmem:s31], [sflag:$0x1], $0x1, s30, s18, $0xb8;
	[tilespmem:$0xB000] =	vst v63  }
0x48: {  	_ =	swait.ge [sflag:s19], $0x80  }
0x49: {  	[sflag:s19] =	ssyncset.done $0x0  }
0x4a: {  	[sflag:s19] =	ssyncadd.s32 $0xFFFFFF80  }
0x4b: {  	_ =	swait.ge [sflag:s19], $0x80  }
0x4c: {  	[sflag:s19] =	ssyncset.done $0x0  }
0x4d: {  	[sflag:s19] =	ssyncadd.s32 $0xFFFFFF80  }
0x4e: {  	_ =	swait.ge [sflag:s19], $0x80  }
0x4f: {  	[sflag:s19] =	ssyncset.done $0x0  }
0x50: {  	[sflag:s19] =	ssyncadd.s32 $0xFFFFFF80  }
0x51: {  	_ =	swait.ge [sflag:s19], $0x80  }
0x52: {  	[sflag:s19] =	ssyncset.done $0x0  }
0x53: {  	[sflag:s19] =	ssyncadd.s32 $0xFFFFFF80  }
0x54: {  	_ =	swait.ge [sflag:s19], $0x80  }
0x55: {  	[sflag:s19] =	ssyncset.done $0x0  }
0x56: {  	[sflag:s19] =	ssyncadd.s32 $0xFFFFFF80  }
0x57: {  	_ =	swait.ge [sflag:s19], $0x80  }
0x58: {  	[sflag:s19] =	ssyncset.done $0x0  }
0x59: {  	[sflag:s19] =	ssyncadd.s32 $0xFFFFFF80  }
0x5a: {  	_ =	swait.ge [sflag:s19], $0x80  }
0x5b: {  	[sflag:s19] =	ssyncset.done $0x0  }
0x5c: {  	[sflag:s19] =	ssyncadd.s32 $0xFFFFFF80  }
0x5d: {  	_ =	swait.ge [sflag:s19], $0x80  }
0x5e: {  	[sflag:s19] =	ssyncset.done $0x0  }
0x5f: {  	[sflag:s19] =	ssyncadd.s32 $0xFFFFFF80  }
0x60: {  	_ =	swait.ge [sflag:s19], $0x80  }
0x61: {  	[sflag:s19] =	ssyncset.done $0x0  }
0x62: {  	[sflag:s19] =	ssyncadd.s32 $0xFFFFFF80  }
0x63: {  	_ =	swait.ge [sflag:s19], $0x80  }
0x64: {  	[sflag:s19] =	ssyncset.done $0x0  }
0x65: {  	[sflag:s19] =	ssyncadd.s32 $0xFFFFFF80  }
0x66: {  	_ =	swait.ge [sflag:s19], $0x80  }
0x67: {  	[sflag:s19] =	ssyncset.done $0x0  }
0x68: {  	[sflag:s19] =	ssyncadd.s32 $0xFFFFFF80  }
0x69: {  	_ =	swait.ge [sflag:s19], $0x80  }
0x6a: {  	[sflag:s19] =	ssyncset.done $0x0  }
0x6b: {  	[sflag:s19] =	ssyncadd.s32 $0xFFFFFF80  }
0x6c: {  	_ =	swait.ge [sflag:s19], $0x80  }
0x6d: {  	[sflag:s19] =	ssyncset.done $0x0  }
0x6e: {  	[sflag:s19] =	ssyncadd.s32 $0xFFFFFF80  }
0x6f: {  	_ =	swait.ge [sflag:s19], $0x80  }
0x70: {  	[sflag:s19] =	ssyncset.done $0x0  }
0x71: {  	[sflag:s19] =	ssyncadd.s32 $0xFFFFFF80  }
0x72: {  	_ =	swait.ge [sflag:s19], $0x80  }
0x73: {  	[sflag:s19] =	ssyncset.done $0x0  }
0x74: {  	[sflag:s19] =	ssyncadd.s32 $0xFFFFFF80  }
0x75: {  	_ =	swait.ge [sflag:s19], $0x80  }
0x76: {  	s24 =	simm.s32 $0x2000;
	s23 =	simm.s32 $0x400;
	[sflag:s19] =	ssyncset.done $0x0  }
.LBB2_2:
0x77: {  	s25 =	sadd.s32 $0x1000, s23  }
0x78: {  	[sflag:s19] =	ssyncadd.s32 $0xFFFFFF80;
	s22 =	smov.u32 s24;
	s21 =	sadd.s32 $0x1000, s24  }
0x79: {  	[spmem:s3] =	stream.indirect.scatter.add.f32 [tilespmem:s25], [sflag:$0x1], $0x1, s23, s18, $0xb8;
	[tilespmem:$0xB000] =	vst v63  }
0x7a: {  	p0 =	sne.s32 s24, $0x3000;
	s24 =	sadd.s32 $0x2000, s23  }
0x7b: {  	[spmem:s4] =	stream.indirect.scatter.add.f32 [tilespmem:s24], [sflag:$0x1], $0x1, s23, s18, $0xb8;
	[tilespmem:$0xB000] =	vst v63  }
0x7c: {  	s25 =	sadd.s32 $0x80, s23;
	s24 =	sadd.s32 $0x1080, s23  }
0x7d: {  	[spmem:s3] =	stream.indirect.scatter.add.f32 [tilespmem:s24], [sflag:$0x1], $0x1, s25, s18, $0xb8;
	[tilespmem:$0xB000] =	vst v63  }
0x7e: {  	s24 =	sadd.s32 $0x2080, s23  }
0x7f: {  	[spmem:s4] =	stream.indirect.scatter.add.f32 [tilespmem:s24], [sflag:$0x1], $0x1, s25, s18, $0xb8;
	[tilespmem:$0xB000] =	vst v63  }
0x80: {  	s24 =	sadd.s32 $0x1100, s23;
	s25 =	sadd.s32 $0x100, s23  }
0x81: {  	[spmem:s3] =	stream.indirect.scatter.add.f32 [tilespmem:s24], [sflag:$0x1], $0x1, s25, s18, $0xb8;
	[tilespmem:$0xB000] =	vst v63  }
0x82: {  	s24 =	sadd.s32 $0x2100, s23  }
0x83: {  	[spmem:s4] =	stream.indirect.scatter.add.f32 [tilespmem:s24], [sflag:$0x1], $0x1, s25, s18, $0xb8;
	[tilespmem:$0xB000] =	vst v63  }
0x84: {  	s24 =	sadd.s32 $0x1180, s23;
	s25 =	sadd.s32 $0x180, s23  }
0x85: {  	[spmem:s3] =	stream.indirect.scatter.add.f32 [tilespmem:s24], [sflag:$0x1], $0x1, s25, s18, $0xb8;
	[tilespmem:$0xB000] =	vst v63  }
0x86: {  	s24 =	sadd.s32 $0x2180, s23  }
0x87: {  	[spmem:s4] =	stream.indirect.scatter.add.f32 [tilespmem:s24], [sflag:$0x1], $0x1, s25, s18, $0xb8;
	[tilespmem:$0xB000] =	vst v63  }
0x88: {  	s24 =	sadd.s32 $0x1200, s23;
	s25 =	sadd.s32 $0x200, s23  }
0x89: {  	[spmem:s3] =	stream.indirect.scatter.add.f32 [tilespmem:s24], [sflag:$0x1], $0x1, s25, s18, $0xb8;
	[tilespmem:$0xB000] =	vst v63  }
0x8a: {  	s24 =	sadd.s32 $0x2200, s23  }
0x8b: {  	[spmem:s4] =	stream.indirect.scatter.add.f32 [tilespmem:s24], [sflag:$0x1], $0x1, s25, s18, $0xb8;
	[tilespmem:$0xB000] =	vst v63  }
0x8c: {  	s24 =	sadd.s32 $0x1280, s23;
	s25 =	sadd.s32 $0x280, s23  }
0x8d: {  	[spmem:s3] =	stream.indirect.scatter.add.f32 [tilespmem:s24], [sflag:$0x1], $0x1, s25, s18, $0xb8;
	[tilespmem:$0xB000] =	vst v63  }
0x8e: {  	s24 =	sadd.s32 $0x2280, s23  }
0x8f: {  	[spmem:s4] =	stream.indirect.scatter.add.f32 [tilespmem:s24], [sflag:$0x1], $0x1, s25, s18, $0xb8;
	[tilespmem:$0xB000] =	vst v63  }
0x90: {  	s24 =	sadd.s32 $0x1300, s23;
	s25 =	sadd.s32 $0x300, s23  }
0x91: {  	[spmem:s3] =	stream.indirect.scatter.add.f32 [tilespmem:s24], [sflag:$0x1], $0x1, s25, s18, $0xb8;
	[tilespmem:$0xB000] =	vst v63  }
0x92: {  	s24 =	sadd.s32 $0x2300, s23  }
0x93: {  	[spmem:s4] =	stream.indirect.scatter.add.f32 [tilespmem:s24], [sflag:$0x1], $0x1, s25, s18, $0xb8;
	[tilespmem:$0xB000] =	vst v63  }
0x94: {  	s24 =	sadd.s32 $0x1380, s23;
	s25 =	sadd.s32 $0x380, s23  }
0x95: {  	[spmem:s3] =	stream.indirect.scatter.add.f32 [tilespmem:s24], [sflag:$0x1], $0x1, s25, s18, $0xb8;
	[tilespmem:$0xB000] =	vst v63  }
0x96: {  	s23 =	sadd.s32 $0x2380, s23  }
0x97: {  	[spmem:s4] =	stream.indirect.scatter.add.f32 [tilespmem:s23], [sflag:$0x1], $0x1, s25, s18, $0xb8;
	[tilespmem:$0xB000] =	vst v63  }
0x98: {  	_ =	swait.ge [sflag:s19], $0x80  }
0x99: {  	[sflag:s19] =	ssyncset.done $0x0  }
0x9a: {  	[sflag:s19] =	ssyncadd.s32 $0xFFFFFF80  }
0x9b: {  	_ =	swait.ge [sflag:s19], $0x80  }
0x9c: {  	[sflag:s19] =	ssyncset.done $0x0  }
0x9d: {  	[sflag:s19] =	ssyncadd.s32 $0xFFFFFF80  }
0x9e: {  	_ =	swait.ge [sflag:s19], $0x80  }
0x9f: {  	[sflag:s19] =	ssyncset.done $0x0  }
0xa0: {  	[sflag:s19] =	ssyncadd.s32 $0xFFFFFF80  }
0xa1: {  	_ =	swait.ge [sflag:s19], $0x80  }
0xa2: {  	[sflag:s19] =	ssyncset.done $0x0  }
0xa3: {  	[sflag:s19] =	ssyncadd.s32 $0xFFFFFF80  }
0xa4: {  	_ =	swait.ge [sflag:s19], $0x80  }
0xa5: {  	[sflag:s19] =	ssyncset.done $0x0  }
0xa6: {  	[sflag:s19] =	ssyncadd.s32 $0xFFFFFF80  }
0xa7: {  	_ =	swait.ge [sflag:s19], $0x80  }
0xa8: {  	[sflag:s19] =	ssyncset.done $0x0  }
0xa9: {  	[sflag:s19] =	ssyncadd.s32 $0xFFFFFF80  }
0xaa: {  	_ =	swait.ge [sflag:s19], $0x80  }
0xab: {  	[sflag:s19] =	ssyncset.done $0x0  }
0xac: {  	[sflag:s19] =	ssyncadd.s32 $0xFFFFFF80  }
0xad: {  	_ =	swait.ge [sflag:s19], $0x80  }
0xae: {  	[sflag:s19] =	ssyncset.done $0x0  }
0xaf: {  	[sflag:s19] =	ssyncadd.s32 $0xFFFFFF80  }
0xb0: {  	_ =	swait.ge [sflag:s19], $0x80  }
0xb1: {  	[sflag:s19] =	ssyncset.done $0x0  }
0xb2: {  	[sflag:s19] =	ssyncadd.s32 $0xFFFFFF80  }
0xb3: {  	_ =	swait.ge [sflag:s19], $0x80  }
0xb4: {  	[sflag:s19] =	ssyncset.done $0x0  }
0xb5: {  	[sflag:s19] =	ssyncadd.s32 $0xFFFFFF80  }
0xb6: {  	_ =	swait.ge [sflag:s19], $0x80  }
0xb7: {  	[sflag:s19] =	ssyncset.done $0x0  }
0xb8: {  	[sflag:s19] =	ssyncadd.s32 $0xFFFFFF80  }
0xb9: {  	_ =	swait.ge [sflag:s19], $0x80  }
0xba: {  	[sflag:s19] =	ssyncset.done $0x0  }
0xbb: {  	[sflag:s19] =	ssyncadd.s32 $0xFFFFFF80  }
0xbc: {  	_ =	swait.ge [sflag:s19], $0x80  }
0xbd: {  	[sflag:s19] =	ssyncset.done $0x0  }
0xbe: {  	[sflag:s19] =	ssyncadd.s32 $0xFFFFFF80  }
0xbf: {  	_ =	swait.ge [sflag:s19], $0x80  }
0xc0: {  	[sflag:s19] =	ssyncset.done $0x0  }
0xc1: {  	[sflag:s19] =	ssyncadd.s32 $0xFFFFFF80  }
.Ltmp0:
0xc2: {  	_ =	swait.ge [sflag:s19], $0x80;
	(pc) =	sbr.rel @p0 .LBB2_2-.Ltmp0, $4  }
0xc3: {  	[sflag:s19] =	ssyncset.done $0x0  }
0xc4: {  	[sflag:s19] =	ssyncadd.s32 $0xFFFFFF80  }
0xc5: {  	_ =	swait.ge [sflag:s19], $0x80  }
0xc6: {  	s24 =	smov.u32 s21;
	s23 =	sshra.s32 s22, $0x2;
	[sflag:s19] =	ssyncset.done $0x0  }
0xc7: {  	s21 =	sadd.s32 $0x1000, s23;
	[sflag:s19] =	ssyncadd.s32 $0xFFFFFF80  }
0xc8: {  	[spmem:s3] =	stream.indirect.scatter.add.f32 [tilespmem:s21], [sflag:$0x1], $0x1, s23, s18, $0xb8;
	[tilespmem:$0xB000] =	vst v63  }
0xc9: {  	s25 =	sadd.s32 $0x2000, s23  }
0xca: {  	[spmem:s4] =	stream.indirect.scatter.add.f32 [tilespmem:s25], [sflag:$0x1], $0x1, s23, s18, $0xb8;
	[tilespmem:$0xB000] =	vst v63  }
0xcb: {  	s26 =	sadd.s32 $0x1080, s23;
	s22 =	sadd.s32 $0x80, s23  }
0xcc: {  	[spmem:s3] =	stream.indirect.scatter.add.f32 [tilespmem:s26], [sflag:$0x1], $0x1, s22, s18, $0xb8;
	[tilespmem:$0xB000] =	vst v63  }
0xcd: {  	s28 =	sadd.s32 $0x2080, s23  }
0xce: {  	[spmem:s4] =	stream.indirect.scatter.add.f32 [tilespmem:s28], [sflag:$0x1], $0x1, s22, s18, $0xb8;
	[tilespmem:$0xB000] =	vst v63  }
0xcf: {  	s29 =	sadd.s32 $0x1100, s23;
	s30 =	sadd.s32 $0x100, s23  }
0xd0: {  	[spmem:s3] =	stream.indirect.scatter.add.f32 [tilespmem:s29], [sflag:$0x1], $0x1, s30, s18, $0xb8;
	[tilespmem:$0xB000] =	vst v63  }
0xd1: {  	s31 =	sadd.s32 $0x2100, s23  }
0xd2: {  	[spmem:s4] =	stream.indirect.scatter.add.f32 [tilespmem:s31], [sflag:$0x1], $0x1, s30, s18, $0xb8;
	[tilespmem:$0xB000] =	vst v63  }
0xd3: {  	s24 =	sadd.s32 $0x180, s23;
	s22 =	sadd.s32 $0x1180, s23  }
0xd4: {  	[spmem:s3] =	stream.indirect.scatter.add.f32 [tilespmem:s22], [sflag:$0x1], $0x1, s24, s18, $0xb8;
	[tilespmem:$0xB000] =	vst v63  }
0xd5: {  	s25 =	sadd.s32 $0x2180, s23  }
0xd6: {  	[spmem:s4] =	stream.indirect.scatter.add.f32 [tilespmem:s25], [sflag:$0x1], $0x1, s24, s18, $0xb8;
	[tilespmem:$0xB000] =	vst v63  }
0xd7: {  	s26 =	sadd.s32 $0x1200, s23;
	s28 =	sadd.s32 $0x200, s23  }
0xd8: {  	[spmem:s3] =	stream.indirect.scatter.add.f32 [tilespmem:s26], [sflag:$0x1], $0x1, s28, s18, $0xb8;
	[tilespmem:$0xB000] =	vst v63  }
0xd9: {  	s29 =	sadd.s32 $0x2200, s23  }
0xda: {  	[spmem:s4] =	stream.indirect.scatter.add.f32 [tilespmem:s29], [sflag:$0x1], $0x1, s28, s18, $0xb8;
	[tilespmem:$0xB000] =	vst v63  }
0xdb: {  	s30 =	sadd.s32 $0x1280, s23;
	s31 =	sadd.s32 $0x280, s23  }
0xdc: {  	[spmem:s3] =	stream.indirect.scatter.add.f32 [tilespmem:s30], [sflag:$0x1], $0x1, s31, s18, $0xb8;
	[tilespmem:$0xB000] =	vst v63  }
0xdd: {  	s24 =	sadd.s32 $0x2280, s23  }
0xde: {  	[spmem:s4] =	stream.indirect.scatter.add.f32 [tilespmem:s24], [sflag:$0x1], $0x1, s31, s18, $0xb8;
	[tilespmem:$0xB000] =	vst v63  }
0xdf: {  	s25 =	sadd.s32 $0x1300, s23;
	s26 =	sadd.s32 $0x300, s23  }
0xe0: {  	[spmem:s3] =	stream.indirect.scatter.add.f32 [tilespmem:s25], [sflag:$0x1], $0x1, s26, s18, $0xb8;
	[tilespmem:$0xB000] =	vst v63  }
0xe1: {  	s28 =	sadd.s32 $0x2300, s23  }
0xe2: {  	[spmem:s4] =	stream.indirect.scatter.add.f32 [tilespmem:s28], [sflag:$0x1], $0x1, s26, s18, $0xb8;
	[tilespmem:$0xB000] =	vst v63  }
0xe3: {  	s29 =	sadd.s32 $0x1380, s23;
	s30 =	sadd.s32 $0x380, s23  }
0xe4: {  	[spmem:s3] =	stream.indirect.scatter.add.f32 [tilespmem:s29], [sflag:$0x1], $0x1, s30, s18, $0xb8;
	[tilespmem:$0xB000] =	vst v63  }
0xe5: {  	s31 =	sadd.s32 $0x2380, s23  }
0xe6: {  	[spmem:s4] =	stream.indirect.scatter.add.f32 [tilespmem:s31], [sflag:$0x1], $0x1, s30, s18, $0xb8;
	[tilespmem:$0xB000] =	vst v63  }
0xe7: {  	_ =	swait.ge [sflag:s19], $0x80  }
0xe8: {  	[sflag:s19] =	ssyncset.done $0x0  }
0xe9: {  	[sflag:s19] =	ssyncadd.s32 $0xFFFFFF80  }
0xea: {  	_ =	swait.ge [sflag:s19], $0x80  }
0xeb: {  	[sflag:s19] =	ssyncset.done $0x0  }
0xec: {  	[sflag:s19] =	ssyncadd.s32 $0xFFFFFF80  }
0xed: {  	_ =	swait.ge [sflag:s19], $0x80  }
0xee: {  	[sflag:s19] =	ssyncset.done $0x0  }
0xef: {  	[sflag:s19] =	ssyncadd.s32 $0xFFFFFF80  }
0xf0: {  	_ =	swait.ge [sflag:s19], $0x80  }
0xf1: {  	[sflag:s19] =	ssyncset.done $0x0  }
0xf2: {  	[sflag:s19] =	ssyncadd.s32 $0xFFFFFF80  }
0xf3: {  	_ =	swait.ge [sflag:s19], $0x80  }
0xf4: {  	[sflag:s19] =	ssyncset.done $0x0  }
0xf5: {  	[sflag:s19] =	ssyncadd.s32 $0xFFFFFF80  }
0xf6: {  	_ =	swait.ge [sflag:s19], $0x80  }
0xf7: {  	[sflag:s19] =	ssyncset.done $0x0  }
0xf8: {  	[sflag:s19] =	ssyncadd.s32 $0xFFFFFF80  }
0xf9: {  	_ =	swait.ge [sflag:s19], $0x80  }
0xfa: {  	[sflag:s19] =	ssyncset.done $0x0  }
0xfb: {  	[sflag:s19] =	ssyncadd.s32 $0xFFFFFF80  }
0xfc: {  	_ =	swait.ge [sflag:s19], $0x80  }
0xfd: {  	[sflag:s19] =	ssyncset.done $0x0  }
0xfe: {  	[sflag:s19] =	ssyncadd.s32 $0xFFFFFF80  }
0xff: {  	_ =	swait.ge [sflag:s19], $0x80  }
0x100: {  	[sflag:s19] =	ssyncset.done $0x0  }
0x101: {  	[sflag:s19] =	ssyncadd.s32 $0xFFFFFF80  }
0x102: {  	_ =	swait.ge [sflag:s19], $0x80  }
0x103: {  	[sflag:s19] =	ssyncset.done $0x0  }
0x104: {  	[sflag:s19] =	ssyncadd.s32 $0xFFFFFF80  }
0x105: {  	_ =	swait.ge [sflag:s19], $0x80  }
0x106: {  	[sflag:s19] =	ssyncset.done $0x0  }
0x107: {  	[sflag:s19] =	ssyncadd.s32 $0xFFFFFF80  }
0x108: {  	_ =	swait.ge [sflag:s19], $0x80  }
0x109: {  	[sflag:s19] =	ssyncset.done $0x0  }
0x10a: {  	[sflag:s19] =	ssyncadd.s32 $0xFFFFFF80  }
0x10b: {  	_ =	swait.ge [sflag:s19], $0x80  }
0x10c: {  	[sflag:s19] =	ssyncset.done $0x0  }
0x10d: {  	[sflag:s19] =	ssyncadd.s32 $0xFFFFFF80  }
0x10e: {  	_ =	swait.ge [sflag:s19], $0x80  }
0x10f: {  	[sflag:s19] =	ssyncset.done $0x0  }
0x110: {  	[sflag:s19] =	ssyncadd.s32 $0xFFFFFF80  }
0x111: {  	_ =	swait.ge [sflag:s19], $0x80  }
0x112: {  	[sflag:s19] =	ssyncset.done $0x0  }
0x113: {  	[sflag:s19] =	ssyncadd.s32 $0xFFFFFF80  }
0x114: {  	_ =	swait.ge [sflag:s19], $0x80  }
0x115: {  	[sflag:s19] =	ssyncset.done $0x0  }
0x116: {  	[sflag:s19] =	ssyncadd.s32 $0xFFFFFF80  }
0x117: {  	[bflag:$0x0] =	sbarrier.arrive $0xFFFF  }
0x118: {  	[hbm:s9], [sflag:s15] =	dma.local [spmem:s16], $0x800  }
0x119: {  	s20 =	sadd.s32 $0x1, s20;
	_ =	swait.ge [sflag:s12], $0x800  }
0x11a: {  	p0 =	sne.s32 s20, s11;
	[sflag:s12] =	ssyncset.done $0x0  }
.Ltmp1:
0x11b: {  	[sflag:s12] =	ssyncadd.s32 $0xFFFFF800;
	(pc) =	sbr.rel @p0 .LBB2_1-.Ltmp1, $4  }
0x11c: {  	[hbm:s10], [sflag:s15] =	dma.local [spmem:s17], $0x800  }
0x11d: {  	_ =	swait.ge [sflag:s12], $0x800  }
0x11e: {  	[sflag:s12] =	ssyncset.done $0x0  }
0x11f: {  	[sflag:s12] =	ssyncadd.s32 $0xFFFFF800  }
0x120: {  	_ =	sfence.sel $0x180000  }
0x121: {  	[bflag:$0x0] =	sbarrier.arrive $0xFFFF  }
0x122: {  	p0 =	sne.s32 s2, $0x0;
	_ =	strace $0x90000047  }
0x123: {  	s0 =	sadd.s32 @!p0 $0x100000, s0;
	[bflag:$0x2] =	sbarrier.arrive $0xFFFF  }
0x124: {  	[sflag:s0] =	ssyncadd.tile.s32 @!p0 $0x1;
	_ =	shalt  }
.Lfunc_end2:
_tile_overlayer_lowered:
.L_overlay_start_2:
0x125: {  	(tag) =	ssettag $0x2  }
0x126: {  	s0 =	rddreg [dreg:$0x0];
	s2 =	stileid.u32  }
0x127: {  	s1 =	rddreg [dreg:$0x1];
	p0 =	sne.s32 s2, $0x0  }
0x128: {  	s3 =	rddreg [dreg:$0x2];
	[bflag:$0x3] =	sbarrier.arrive $0xFFFF;
	s2 =	simm.s32 @!p0 $0x1C02  }
0x129: {  	[timem:s3], [sflag:s2] =	dma.local @!p0 [hbm:s0], s1  }
0x12a: {  	s0 =	simm.s32 @!p0 $0x2  }
0x12b: {  	_ =	swait.ge @!p0 [sflag:s0], s1  }
0x12c: {  	s1 =	ssub.s32 @!p0 $0x0, s1;
	[sflag:s0] =	ssyncset.done @!p0 $0x0  }
0x12d: {  	[sflag:s0] =	ssyncadd.s32 @!p0 s1  }
0x12e: {  	[bflag:$0x3] =	sbarrier.arrive $0xFFFF  }
0x12f: {  	_ =	shalt  }

</sc_bundles>
